<compile_context>
chip_gen: v7x
topology: tpu7x:2x2x1
jax: 0.10.2.dev20260603
libtpu: 0.0.44.dev20260713+nightly
codegen_flags: <defaults>
</compile_context>

<pallas_src>
import functools

import jax
import jax.numpy as jnp
from jax import lax
from jax.experimental import pallas as pl
from jax.experimental.pallas import tpu as pltpu
from jax.experimental.pallas import tpu_sc as plsc

N_ROWS = 1000000
EMBED_DIM = 16
BATCH = 16384
HIST = 50

NC = 2
NS = 16
NW = NC * NS
TJ = BATCH // 128
TJ_PER_W = TJ // NW
BW = 128 * TJ_PER_W


def _body(
    xT_hbm, w_hbm, out_hbm,
    idx_all, rows_a, rows_b, tbuf_a, tbuf_b,
    sem_g, sem_o,
):
    wid = lax.axis_index("s") * NC + lax.axis_index("c")
    base = wid * BW

    d_iota = lax.iota(jnp.int32, EMBED_DIM)
    ti_idx = d_iota // 8
    r_idx = d_iota % 8
    zeros = jnp.zeros((EMBED_DIM,), jnp.int32)

    pltpu.sync_copy(xT_hbm.at[:, pl.ds(base, BW)], idx_all)

    def gather(h, rows_v):
        return pltpu.async_copy(w_hbm.at[idx_all.at[h]], rows_v, sem_g)

    def transpose(rows_v, tbuf):
        for j in range(TJ_PER_W):
            j_splat = zeros + j

            @plsc.parallel_loop(0, 128, unroll=16)
            def per_c(c, _j=j, _js=j_splat):
                vals = rows_v[_j * 128 + c]
                plsc.store_scatter(
                    tbuf, [ti_idx, _js, r_idx, zeros + c], vals
                )

    def write_out(h, tbuf):
        pltpu.async_copy(
            tbuf, out_hbm.at[h, :, pl.ds(wid * TJ_PER_W, TJ_PER_W)], sem_o
        )

    def drain_write(h, tbuf):
        pltpu.make_async_copy(
            tbuf, out_hbm.at[h, :, pl.ds(wid * TJ_PER_W, TJ_PER_W)], sem_o
        ).wait()

    gather(0, rows_a)

    def step(k, carry):
        h0 = 2 * k
        h1 = 2 * k + 1
        gather(h1, rows_b).wait()

        @pl.when(k > 0)
        def _():
            drain_write(h0, tbuf_a)

        transpose(rows_a, tbuf_a)
        write_out(h0, tbuf_a)

        gather(jnp.minimum(h1 + 1, HIST - 1), rows_a).wait()

        @pl.when(k > 0)
        def _():
            drain_write(h1, tbuf_b)

        transpose(rows_b, tbuf_b)
        write_out(h1, tbuf_b)
        return carry

    lax.fori_loop(0, HIST // 2, step, 0)

    pltpu.make_async_copy(w_hbm.at[idx_all.at[0]], rows_a, sem_g).wait()
    drain_write(HIST - 2, tbuf_a)
    drain_write(HIST - 1, tbuf_b)


@jax.jit
def _lookup(xT, W):
    k = pl.kernel(
        _body,
        out_type=jax.ShapeDtypeStruct((HIST, 2, TJ, 8, 128), jnp.float32),
        mesh=plsc.VectorSubcoreMesh(core_axis_name="c", subcore_axis_name="s"),
        scratch_types=[
            pltpu.VMEM((HIST, BW), jnp.int32),
            pltpu.VMEM((BW, EMBED_DIM), jnp.float32),
            pltpu.VMEM((BW, EMBED_DIM), jnp.float32),
            pltpu.VMEM((2, TJ_PER_W, 8, 128), jnp.float32),
            pltpu.VMEM((2, TJ_PER_W, 8, 128), jnp.float32),
            pltpu.SemaphoreType.DMA,
            pltpu.SemaphoreType.DMA,
        ],
        compiler_params=pltpu.CompilerParams(
            use_tc_tiling_on_sc=False, needs_layout_passes=False
        ),
    )
    return k(xT, W)


def kernel(x, W):
    out5 = _lookup(x.T, W)
    return out5.transpose(2, 4, 0, 1, 3).reshape(BATCH, HIST, EMBED_DIM)

# --- scband reference (transcript-rebuilt; emitter-appended) ---
"""Pipeline reference for scband-poincare-embedding-58136677318879 (READ-ONLY COPY).

The authoritative reference and input builder live on the scoring server;
editing this copy changes nothing except your own understanding.
"""

import jax, jax.numpy as jnp
import numpy as np

N_EXEMPLE = 1000000
EMBED_DIM = 16
BATCH = 16384
HIST = 50

def setup_inputs(seed: int = 0) -> dict:
    key = jax.random.key(seed)
    k1, k2 = jax.random.split(key)
    x = jax.random.randint(k1, (BATCH, HIST), 0, N_EXEMPLE, dtype=jnp.int64 if jax.config.jax_enable_x64 else jnp.int32).astype(jnp.int32)
    # Poincare embeddings are typically initialized with small uniform values inside the ball
    W = jax.random.uniform(k2, (N_EXEMPLE, EMBED_DIM), dtype=jnp.float32, minval=-0.001, maxval=0.001)
    return {"x": x, "W": W}

def reference(x, W):
    # forward(x) = self.W(x): embedding lookup into the Poincare embedding table
    out = jnp.take(W, x, axis=0)  # [BATCH, HIST, EMBED_DIM]
    return out

if __name__ == "__main__":
    import jax
    _d = setup_inputs()
    print(jax.jit(kernel)(*tuple(_d.values())))

</pallas_src>

<mosaic_0001>
#map = affine_map<(d0, d1) -> (0, 0)>
#map1 = affine_map<(d0, d1) -> (0, 0, 0, 0, 0)>
module attributes {stable_mosaic.version = 14 : i64} {
  func.func @_body(%arg0: i32, %arg1: i32, %arg2: memref<50x16384xi32, #tpu.memory_space<hbm>>, %arg3: memref<1000000x16xf32, #tpu.memory_space<hbm>>, %arg4: memref<50x2x128x8x128xf32, #tpu.memory_space<hbm>>, %arg5: memref<50x512xi32, #tpu.memory_space<vmem>>, %arg6: memref<512x16xf32, #tpu.memory_space<vmem>>, %arg7: memref<512x16xf32, #tpu.memory_space<vmem>>, %arg8: memref<2x4x8x128xf32, #tpu.memory_space<vmem>>, %arg9: memref<2x4x8x128xf32, #tpu.memory_space<vmem>>, %arg10: memref<!tpu.dma_semaphore, #tpu.memory_space<semaphore_mem>>, %arg11: memref<!tpu.dma_semaphore, #tpu.memory_space<semaphore_mem>>) attributes {dimension_semantics = [#tpu.dimension_semantics<core_parallel>, #tpu.dimension_semantics<subcore_parallel>], iteration_bounds = array<i64: 2, 16>, scalar_prefetch = 0 : i64, scratch_operands = 7 : i64, tpu.core_type = #tpu.core_type<sc_vector_subcore>, window_params = [{transform_indices = #map}, {transform_indices = #map}, {transform_indices = #map1}]} {
    %mul3A = arith.constant 2 : i32
    %mul3A_0 = arith.muli %arg1, %mul3A : i32
    %add3A = arith.addi %mul3A_0, %arg0 : i32
    %mul3A_1 = arith.constant 512 : i32
    %mul3A_2 = arith.muli %add3A, %mul3A_1 : i32
    %iota3A = tpu.iota {dimensions = array<i32: 0>} : vector<16xi32>
    %jit3A = arith.constant 8 : i32
    %div3A = vector.broadcast %jit3A : i32 to vector<16xi32>
    %div3A_3 = arith.divsi %iota3A, %div3A : vector<16xi32>
    %sign3A = arith.constant 0 : i32
    %sign3A_4 = vector.broadcast %sign3A : i32 to vector<16xi32>
    %sign3A_5 = arith.cmpi sgt, %iota3A, %sign3A_4 : vector<16xi32>
    %sign3A_6 = arith.extui %sign3A_5 : vector<16xi1> to vector<16xi32>
    %sign3A_7 = arith.constant 0 : i32
    %sign3A_8 = vector.broadcast %sign3A_7 : i32 to vector<16xi32>
    %sign3A_9 = arith.cmpi slt, %iota3A, %sign3A_8 : vector<16xi32>
    %sign3A_10 = arith.extui %sign3A_9 : vector<16xi1> to vector<16xi32>
    %sign3A_11 = arith.subi %sign3A_6, %sign3A_10 : vector<16xi32>
    %sign3A_12 = arith.constant 0 : i32
    %sign3A_13 = arith.cmpi sgt, %jit3A, %sign3A_12 : i32
    %sign3A_14 = arith.extui %sign3A_13 : i1 to i32
    %sign3A_15 = arith.constant 0 : i32
    %sign3A_16 = arith.cmpi slt, %jit3A, %sign3A_15 : i32
    %sign3A_17 = arith.extui %sign3A_16 : i1 to i32
    %sign3A_18 = arith.subi %sign3A_14, %sign3A_17 : i32
    %ne3A = vector.broadcast %sign3A_18 : i32 to vector<16xi32>
    %ne3A_19 = arith.cmpi ne, %sign3A_11, %ne3A : vector<16xi32>
    %rem3A = vector.broadcast %jit3A : i32 to vector<16xi32>
    %rem3A_20 = arith.remsi %iota3A, %rem3A : vector<16xi32>
    %ne3A_21 = arith.constant 0 : i32
    %ne3A_22 = vector.broadcast %ne3A_21 : i32 to vector<16xi32>
    %ne3A_23 = arith.cmpi ne, %rem3A_20, %ne3A_22 : vector<16xi32>
    %and3A = arith.andi %ne3A_19, %ne3A_23 : vector<16xi1>
    %sub3A = arith.constant 1 : i32
    %sub3A_24 = vector.broadcast %sub3A : i32 to vector<16xi32>
    %sub3A_25 = arith.subi %div3A_3, %sub3A_24 : vector<16xi32>
    %select_n3A = arith.select %and3A, %sub3A_25, %div3A_3 : vector<16xi1>, vector<16xi32>
    %jit3A_26 = arith.constant 8 : i32
    %eq3A = arith.constant 0 : i32
    %eq3A_27 = arith.cmpi eq, %jit3A_26, %eq3A : i32
    %jit3A_28 = arith.constant 1 : i32
    %select_n3A_29 = arith.select %eq3A_27, %jit3A_28, %jit3A_26 : i32
    %rem3A_30 = vector.broadcast %select_n3A_29 : i32 to vector<16xi32>
    %rem3A_31 = arith.remsi %iota3A, %rem3A_30 : vector<16xi32>
    %ne3A_32 = arith.constant 0 : i32
    %ne3A_33 = vector.broadcast %ne3A_32 : i32 to vector<16xi32>
    %ne3A_34 = arith.cmpi ne, %rem3A_31, %ne3A_33 : vector<16xi32>
    %lt3A = arith.constant 0 : i32
    %lt3A_35 = vector.broadcast %lt3A : i32 to vector<16xi32>
    %lt3A_36 = arith.cmpi slt, %rem3A_31, %lt3A_35 : vector<16xi32>
    %lt3A_37 = arith.constant 0 : i32
    %lt3A_38 = arith.cmpi slt, %select_n3A_29, %lt3A_37 : i32
    %ne3A_39 = vector.broadcast %lt3A_38 : i1 to vector<16xi1>
    %ne3A_40 = vector.broadcast %ne3A_39 : vector<16xi1> to vector<16xi1>
    %ne3A_41 = arith.xori %lt3A_36, %ne3A_40 : vector<16xi1>
    %and3A_42 = arith.andi %ne3A_41, %ne3A_34 : vector<16xi1>
    %add3A_43 = vector.broadcast %select_n3A_29 : i32 to vector<16xi32>
    %add3A_44 = arith.addi %rem3A_31, %add3A_43 : vector<16xi32>
    %select_n3A_45 = arith.select %and3A_42, %add3A_44, %rem3A_31 : vector<16xi1>, vector<16xi32>
    %broadcast_in_dim3A = arith.constant 0 : i32
    %broadcast_in_dim3A_46 = vector.broadcast %broadcast_in_dim3A : i32 to vector<16xi32>
    "tpu.region"() ({
      %run_scoped3A = tpu.sem_alloc : memref<!tpu.dma_semaphore, #tpu.memory_space<semaphore_mem>>
      %dma_start3A_90 = arith.constant 0 : i32
      %dma_start3A_91 = tpu.memref_slice %arg2[%dma_start3A_90, %mul3A_2] : memref<50x16384xi32, #tpu.memory_space<hbm>> -> memref<50x512xi32, #tpu.memory_space<hbm>>
      %dma_start3A_92 = arith.constant 0 : i32
      %dma_start3A_93 = tpu.memref_slice %arg2[%dma_start3A_92, %mul3A_2] : memref<50x16384xi32, #tpu.memory_space<hbm>> -> memref<50x512xi32, #tpu.memory_space<hbm>>
      tpu.enqueue_dma source(%dma_start3A_93 : memref<50x512xi32, #tpu.memory_space<hbm>>) target(%arg5 : memref<50x512xi32, #tpu.memory_space<vmem>>) target_semaphore(%run_scoped3A : memref<!tpu.dma_semaphore, #tpu.memory_space<semaphore_mem>>)
      %dma_wait3A_94 = arith.constant 0 : i32
      %dma_wait3A_95 = tpu.memref_slice %arg2[%dma_wait3A_94, %mul3A_2] : memref<50x16384xi32, #tpu.memory_space<hbm>> -> memref<50x512xi32, #tpu.memory_space<hbm>>
      %dma_wait3A_96 = arith.constant 0 : i32
      %dma_wait3A_97 = tpu.memref_slice %arg2[%dma_wait3A_96, %mul3A_2] : memref<50x16384xi32, #tpu.memory_space<hbm>> -> memref<50x512xi32, #tpu.memory_space<hbm>>
      tpu.wait_dma2 semaphore(%run_scoped3A : memref<!tpu.dma_semaphore, #tpu.memory_space<semaphore_mem>>) src(%dma_wait3A_97 : memref<50x512xi32, #tpu.memory_space<hbm>>) dst(%arg5 : memref<50x512xi32, #tpu.memory_space<vmem>>)
      tpu.yield
    }) : () -> ()
    %dma_start3A = arith.constant 0 : i32
    %dma_start3A_47 = arith.constant 0 : i32
    %dma_start3A_48 = tpu.memref_slice %arg5[%dma_start3A, %dma_start3A_47] : memref<50x512xi32, #tpu.memory_space<vmem>> -> memref<1x512xi32, #tpu.memory_space<vmem>>
    %dma_start3A_49 = tpu.memref_squeeze %dma_start3A_48 : memref<1x512xi32, #tpu.memory_space<vmem>> -> memref<512xi32, #tpu.memory_space<vmem>>
    %dma_start3A_50 = arith.constant 0 : i32
    %dma_start3A_51 = arith.constant 0 : i32
    %dma_start3A_52 = tpu.memref_slice %arg3[%dma_start3A_50, %dma_start3A_51] : memref<1000000x16xf32, #tpu.memory_space<hbm>> -> memref<1000000x16xf32, #tpu.memory_space<hbm>>
    tpu.enqueue_indirect_dma source(%dma_start3A_52 : memref<1000000x16xf32, #tpu.memory_space<hbm>>) target(%arg6 : memref<512x16xf32, #tpu.memory_space<vmem>>) offsets(%dma_start3A_49 : memref<512xi32, #tpu.memory_space<vmem>>) semaphore(%arg10 : memref<!tpu.dma_semaphore, #tpu.memory_space<semaphore_mem>>)
    %scan3A = arith.constant 0 : i32
    %scan3A_53 = arith.constant 0 : i32
    %scan3A_54 = arith.constant 25 : i32
    %scan3A_55 = arith.addi %scan3A_53, %scan3A_54 : i32
    %scan3A_56 = arith.constant 1 : i32
    scf.for %scan3A_90 = %scan3A_53 to %scan3A_55 step %scan3A_56  : i32 {
      %mul3A_91 = arith.constant 2 : i32
      %mul3A_92 = arith.muli %mul3A_91, %scan3A_90 : i32
      %mul3A_93 = arith.constant 2 : i32
      %mul3A_94 = arith.muli %mul3A_93, %scan3A_90 : i32
      %add3A_95 = arith.constant 1 : i32
      %add3A_96 = arith.addi %mul3A_94, %add3A_95 : i32
      %dma_start3A_97 = arith.constant 0 : i32
      %dma_start3A_98 = tpu.memref_slice %arg5[%add3A_96, %dma_start3A_97] : memref<50x512xi32, #tpu.memory_space<vmem>> -> memref<1x512xi32, #tpu.memory_space<vmem>>
      %dma_start3A_99 = tpu.memref_squeeze %dma_start3A_98 : memref<1x512xi32, #tpu.memory_space<vmem>> -> memref<512xi32, #tpu.memory_space<vmem>>
      %dma_start3A_100 = arith.constant 0 : i32
      %dma_start3A_101 = arith.constant 0 : i32
      %dma_start3A_102 = tpu.memref_slice %arg3[%dma_start3A_100, %dma_start3A_101] : memref<1000000x16xf32, #tpu.memory_space<hbm>> -> memref<1000000x16xf32, #tpu.memory_space<hbm>>
      tpu.enqueue_indirect_dma source(%dma_start3A_102 : memref<1000000x16xf32, #tpu.memory_space<hbm>>) target(%arg7 : memref<512x16xf32, #tpu.memory_space<vmem>>) offsets(%dma_start3A_99 : memref<512xi32, #tpu.memory_space<vmem>>) semaphore(%arg10 : memref<!tpu.dma_semaphore, #tpu.memory_space<semaphore_mem>>)
      %dma_wait3A_103 = arith.constant 0 : i32
      %dma_wait3A_104 = tpu.memref_slice %arg5[%add3A_96, %dma_wait3A_103] : memref<50x512xi32, #tpu.memory_space<vmem>> -> memref<1x512xi32, #tpu.memory_space<vmem>>
      %dma_wait3A_105 = tpu.memref_squeeze %dma_wait3A_104 : memref<1x512xi32, #tpu.memory_space<vmem>> -> memref<512xi32, #tpu.memory_space<vmem>>
      %dma_wait3A_106 = arith.constant 0 : i32
      %dma_wait3A_107 = arith.constant 0 : i32
      %dma_wait3A_108 = tpu.memref_slice %arg3[%dma_wait3A_106, %dma_wait3A_107] : memref<1000000x16xf32, #tpu.memory_space<hbm>> -> memref<1000000x16xf32, #tpu.memory_space<hbm>>
      tpu.wait_indirect_dma semaphore(%arg10 : memref<!tpu.dma_semaphore, #tpu.memory_space<semaphore_mem>>) src(%dma_wait3A_108 : memref<1000000x16xf32, #tpu.memory_space<hbm>>) dst(%arg7 : memref<512x16xf32, #tpu.memory_space<vmem>>)
      %gt3A = arith.constant 0 : i32
      %gt3A_109 = arith.cmpi sgt, %scan3A_90, %gt3A : i32
      %convert_element_type3A = arith.extui %gt3A_109 : i1 to i32
      %cond3A = arith.constant 0 : i32
      %cond3A_110 = arith.cmpi ne, %convert_element_type3A, %cond3A : i32
      scf.if %cond3A_110 {
        %mul3A_202 = arith.constant 4 : i32
        %mul3A_203 = arith.muli %add3A, %mul3A_202 : i32
        %dma_wait3A_204 = arith.constant 0 : i32
        %dma_wait3A_205 = arith.constant 0 : i32
        %dma_wait3A_206 = arith.constant 0 : i32
        %dma_wait3A_207 = tpu.memref_slice %arg4[%mul3A_92, %dma_wait3A_204, %mul3A_203, %dma_wait3A_205, %dma_wait3A_206] : memref<50x2x128x8x128xf32, #tpu.memory_space<hbm>> -> memref<1x2x4x8x128xf32, #tpu.memory_space<hbm>>
        %dma_wait3A_208 = tpu.memref_squeeze %dma_wait3A_207 : memref<1x2x4x8x128xf32, #tpu.memory_space<hbm>> -> memref<2x4x8x128xf32, #tpu.memory_space<hbm>>
        %dma_wait3A_209 = arith.constant 0 : i32
        %dma_wait3A_210 = arith.constant 0 : i32
        %dma_wait3A_211 = arith.constant 0 : i32
        %dma_wait3A_212 = tpu.memref_slice %arg4[%mul3A_92, %dma_wait3A_209, %mul3A_203, %dma_wait3A_210, %dma_wait3A_211] : memref<50x2x128x8x128xf32, #tpu.memory_space<hbm>> -> memref<1x2x4x8x128xf32, #tpu.memory_space<hbm>>
        %dma_wait3A_213 = tpu.memref_squeeze %dma_wait3A_212 : memref<1x2x4x8x128xf32, #tpu.memory_space<hbm>> -> memref<2x4x8x128xf32, #tpu.memory_space<hbm>>
        tpu.wait_dma2 semaphore(%arg11 : memref<!tpu.dma_semaphore, #tpu.memory_space<semaphore_mem>>) src(%arg8 : memref<2x4x8x128xf32, #tpu.memory_space<vmem>>) dst(%dma_wait3A_213 : memref<2x4x8x128xf32, #tpu.memory_space<hbm>>)
      } else {
      }
      %add3A_111 = arith.constant 0 : i32
      %add3A_112 = vector.broadcast %add3A_111 : i32 to vector<16xi32>
      %add3A_113 = arith.addi %broadcast_in_dim3A_46, %add3A_112 : vector<16xi32>
      %parallel_loop3A = arith.constant 0 : i32
      %parallel_loop3A_114 = arith.constant 128 : i32
      %parallel_loop3A_115 = arith.constant 1 : i32
      scf.for %parallel_loop3A_202 = %parallel_loop3A to %parallel_loop3A_114 step %parallel_loop3A_115  : i32 {
        %parallel_loop3A_203 = arith.constant 0 : i32
        %parallel_loop3A_204 = arith.addi %parallel_loop3A_203, %parallel_loop3A_202 : i32
        %parallel_loop3A_205 = arith.index_cast %parallel_loop3A_204 : i32 to index
        %parallel_loop3A_206 = arith.constant 0 : index
        %parallel_loop3A_207 = tpu.vector_load %arg6[%parallel_loop3A_205, %parallel_loop3A_206] {strides = array<i32>} : memref<512x16xf32, #tpu.memory_space<vmem>>, vector<16xf32>,
        %parallel_loop3A_208 = vector.broadcast %parallel_loop3A_202 : i32 to vector<16xi32>
        %parallel_loop3A_209 = arith.addi %broadcast_in_dim3A_46, %parallel_loop3A_208 : vector<16xi32>
        tpu.vector_store_idx %arg8[%select_n3A, %add3A_113, %select_n3A_45, %parallel_loop3A_209], %parallel_loop3A_207 : memref<2x4x8x128xf32, #tpu.memory_space<vmem>>[vector<16xi32>, vector<16xi32>, vector<16xi32>, vector<16xi32>], vector<16xf32>,
      } {sc.loop_unroll_factor = 16 : i64, sc.parallel_access}
      %add3A_116 = arith.constant 1 : i32
      %add3A_117 = vector.broadcast %add3A_116 : i32 to vector<16xi32>
      %add3A_118 = arith.addi %broadcast_in_dim3A_46, %add3A_117 : vector<16xi32>
      %parallel_loop3A_119 = arith.constant 0 : i32
      %parallel_loop3A_120 = arith.constant 128 : i32
      %parallel_loop3A_121 = arith.constant 1 : i32
      scf.for %parallel_loop3A_202 = %parallel_loop3A_119 to %parallel_loop3A_120 step %parallel_loop3A_121  : i32 {
        %parallel_loop3A_203 = arith.constant 128 : i32
        %parallel_loop3A_204 = arith.addi %parallel_loop3A_203, %parallel_loop3A_202 : i32
        %parallel_loop3A_205 = arith.index_cast %parallel_loop3A_204 : i32 to index
        %parallel_loop3A_206 = arith.constant 0 : index
        %parallel_loop3A_207 = tpu.vector_load %arg6[%parallel_loop3A_205, %parallel_loop3A_206] {strides = array<i32>} : memref<512x16xf32, #tpu.memory_space<vmem>>, vector<16xf32>,
        %parallel_loop3A_208 = vector.broadcast %parallel_loop3A_202 : i32 to vector<16xi32>
        %parallel_loop3A_209 = arith.addi %broadcast_in_dim3A_46, %parallel_loop3A_208 : vector<16xi32>
        tpu.vector_store_idx %arg8[%select_n3A, %add3A_118, %select_n3A_45, %parallel_loop3A_209], %parallel_loop3A_207 : memref<2x4x8x128xf32, #tpu.memory_space<vmem>>[vector<16xi32>, vector<16xi32>, vector<16xi32>, vector<16xi32>], vector<16xf32>,
      } {sc.loop_unroll_factor = 16 : i64, sc.parallel_access}
      %add3A_122 = arith.constant 2 : i32
      %add3A_123 = vector.broadcast %add3A_122 : i32 to vector<16xi32>
      %add3A_124 = arith.addi %broadcast_in_dim3A_46, %add3A_123 : vector<16xi32>
      %parallel_loop3A_125 = arith.constant 0 : i32
      %parallel_loop3A_126 = arith.constant 128 : i32
      %parallel_loop3A_127 = arith.constant 1 : i32
      scf.for %parallel_loop3A_202 = %parallel_loop3A_125 to %parallel_loop3A_126 step %parallel_loop3A_127  : i32 {
        %parallel_loop3A_203 = arith.constant 256 : i32
        %parallel_loop3A_204 = arith.addi %parallel_loop3A_203, %parallel_loop3A_202 : i32
        %parallel_loop3A_205 = arith.index_cast %parallel_loop3A_204 : i32 to index
        %parallel_loop3A_206 = arith.constant 0 : index
        %parallel_loop3A_207 = tpu.vector_load %arg6[%parallel_loop3A_205, %parallel_loop3A_206] {strides = array<i32>} : memref<512x16xf32, #tpu.memory_space<vmem>>, vector<16xf32>,
        %parallel_loop3A_208 = vector.broadcast %parallel_loop3A_202 : i32 to vector<16xi32>
        %parallel_loop3A_209 = arith.addi %broadcast_in_dim3A_46, %parallel_loop3A_208 : vector<16xi32>
        tpu.vector_store_idx %arg8[%select_n3A, %add3A_124, %select_n3A_45, %parallel_loop3A_209], %parallel_loop3A_207 : memref<2x4x8x128xf32, #tpu.memory_space<vmem>>[vector<16xi32>, vector<16xi32>, vector<16xi32>, vector<16xi32>], vector<16xf32>,
      } {sc.loop_unroll_factor = 16 : i64, sc.parallel_access}
      %add3A_128 = arith.constant 3 : i32
      %add3A_129 = vector.broadcast %add3A_128 : i32 to vector<16xi32>
      %add3A_130 = arith.addi %broadcast_in_dim3A_46, %add3A_129 : vector<16xi32>
      %parallel_loop3A_131 = arith.constant 0 : i32
      %parallel_loop3A_132 = arith.constant 128 : i32
      %parallel_loop3A_133 = arith.constant 1 : i32
      scf.for %parallel_loop3A_202 = %parallel_loop3A_131 to %parallel_loop3A_132 step %parallel_loop3A_133  : i32 {
        %parallel_loop3A_203 = arith.constant 384 : i32
        %parallel_loop3A_204 = arith.addi %parallel_loop3A_203, %parallel_loop3A_202 : i32
        %parallel_loop3A_205 = arith.index_cast %parallel_loop3A_204 : i32 to index
        %parallel_loop3A_206 = arith.constant 0 : index
        %parallel_loop3A_207 = tpu.vector_load %arg6[%parallel_loop3A_205, %parallel_loop3A_206] {strides = array<i32>} : memref<512x16xf32, #tpu.memory_space<vmem>>, vector<16xf32>,
        %parallel_loop3A_208 = vector.broadcast %parallel_loop3A_202 : i32 to vector<16xi32>
        %parallel_loop3A_209 = arith.addi %broadcast_in_dim3A_46, %parallel_loop3A_208 : vector<16xi32>
        tpu.vector_store_idx %arg8[%select_n3A, %add3A_130, %select_n3A_45, %parallel_loop3A_209], %parallel_loop3A_207 : memref<2x4x8x128xf32, #tpu.memory_space<vmem>>[vector<16xi32>, vector<16xi32>, vector<16xi32>, vector<16xi32>], vector<16xf32>,
      } {sc.loop_unroll_factor = 16 : i64, sc.parallel_access}
      %mul3A_134 = arith.constant 4 : i32
      %mul3A_135 = arith.muli %add3A, %mul3A_134 : i32
      %dma_start3A_136 = arith.constant 0 : i32
      %dma_start3A_137 = arith.constant 0 : i32
      %dma_start3A_138 = arith.constant 0 : i32
      %dma_start3A_139 = tpu.memref_slice %arg4[%mul3A_92, %dma_start3A_136, %mul3A_135, %dma_start3A_137, %dma_start3A_138] : memref<50x2x128x8x128xf32, #tpu.memory_space<hbm>> -> memref<1x2x4x8x128xf32, #tpu.memory_space<hbm>>
      %dma_start3A_140 = tpu.memref_squeeze %dma_start3A_139 : memref<1x2x4x8x128xf32, #tpu.memory_space<hbm>> -> memref<2x4x8x128xf32, #tpu.memory_space<hbm>>
      %dma_start3A_141 = arith.constant 0 : i32
      %dma_start3A_142 = arith.constant 0 : i32
      %dma_start3A_143 = arith.constant 0 : i32
      %dma_start3A_144 = tpu.memref_slice %arg4[%mul3A_92, %dma_start3A_141, %mul3A_135, %dma_start3A_142, %dma_start3A_143] : memref<50x2x128x8x128xf32, #tpu.memory_space<hbm>> -> memref<1x2x4x8x128xf32, #tpu.memory_space<hbm>>
      %dma_start3A_145 = tpu.memref_squeeze %dma_start3A_144 : memref<1x2x4x8x128xf32, #tpu.memory_space<hbm>> -> memref<2x4x8x128xf32, #tpu.memory_space<hbm>>
      tpu.enqueue_dma source(%arg8 : memref<2x4x8x128xf32, #tpu.memory_space<vmem>>) target(%dma_start3A_145 : memref<2x4x8x128xf32, #tpu.memory_space<hbm>>) target_semaphore(%arg11 : memref<!tpu.dma_semaphore, #tpu.memory_space<semaphore_mem>>)
      %add3A_146 = arith.constant 1 : i32
      %add3A_147 = arith.addi %add3A_96, %add3A_146 : i32
      %min3A = arith.constant 49 : i32
      %min3A_148 = arith.minsi %add3A_147, %min3A : i32
      %dma_start3A_149 = arith.constant 0 : i32
      %dma_start3A_150 = tpu.memref_slice %arg5[%min3A_148, %dma_start3A_149] : memref<50x512xi32, #tpu.memory_space<vmem>> -> memref<1x512xi32, #tpu.memory_space<vmem>>
      %dma_start3A_151 = tpu.memref_squeeze %dma_start3A_150 : memref<1x512xi32, #tpu.memory_space<vmem>> -> memref<512xi32, #tpu.memory_space<vmem>>
      %dma_start3A_152 = arith.constant 0 : i32
      %dma_start3A_153 = arith.constant 0 : i32
      %dma_start3A_154 = tpu.memref_slice %arg3[%dma_start3A_152, %dma_start3A_153] : memref<1000000x16xf32, #tpu.memory_space<hbm>> -> memref<1000000x16xf32, #tpu.memory_space<hbm>>
      tpu.enqueue_indirect_dma source(%dma_start3A_154 : memref<1000000x16xf32, #tpu.memory_space<hbm>>) target(%arg6 : memref<512x16xf32, #tpu.memory_space<vmem>>) offsets(%dma_start3A_151 : memref<512xi32, #tpu.memory_space<vmem>>) semaphore(%arg10 : memref<!tpu.dma_semaphore, #tpu.memory_space<semaphore_mem>>)
      %dma_wait3A_155 = arith.constant 0 : i32
      %dma_wait3A_156 = tpu.memref_slice %arg5[%min3A_148, %dma_wait3A_155] : memref<50x512xi32, #tpu.memory_space<vmem>> -> memref<1x512xi32, #tpu.memory_space<vmem>>
      %dma_wait3A_157 = tpu.memref_squeeze %dma_wait3A_156 : memref<1x512xi32, #tpu.memory_space<vmem>> -> memref<512xi32, #tpu.memory_space<vmem>>
      %dma_wait3A_158 = arith.constant 0 : i32
      %dma_wait3A_159 = arith.constant 0 : i32
      %dma_wait3A_160 = tpu.memref_slice %arg3[%dma_wait3A_158, %dma_wait3A_159] : memref<1000000x16xf32, #tpu.memory_space<hbm>> -> memref<1000000x16xf32, #tpu.memory_space<hbm>>
      tpu.wait_indirect_dma semaphore(%arg10 : memref<!tpu.dma_semaphore, #tpu.memory_space<semaphore_mem>>) src(%dma_wait3A_160 : memref<1000000x16xf32, #tpu.memory_space<hbm>>) dst(%arg6 : memref<512x16xf32, #tpu.memory_space<vmem>>)
      %gt3A_161 = arith.constant 0 : i32
      %gt3A_162 = arith.cmpi sgt, %scan3A_90, %gt3A_161 : i32
      %convert_element_type3A_163 = arith.extui %gt3A_162 : i1 to i32
      %cond3A_164 = arith.constant 0 : i32
      %cond3A_165 = arith.cmpi ne, %convert_element_type3A_163, %cond3A_164 : i32
      scf.if %cond3A_165 {
        %mul3A_202 = arith.constant 4 : i32
        %mul3A_203 = arith.muli %add3A, %mul3A_202 : i32
        %dma_wait3A_204 = arith.constant 0 : i32
        %dma_wait3A_205 = arith.constant 0 : i32
        %dma_wait3A_206 = arith.constant 0 : i32
        %dma_wait3A_207 = tpu.memref_slice %arg4[%add3A_96, %dma_wait3A_204, %mul3A_203, %dma_wait3A_205, %dma_wait3A_206] : memref<50x2x128x8x128xf32, #tpu.memory_space<hbm>> -> memref<1x2x4x8x128xf32, #tpu.memory_space<hbm>>
        %dma_wait3A_208 = tpu.memref_squeeze %dma_wait3A_207 : memref<1x2x4x8x128xf32, #tpu.memory_space<hbm>> -> memref<2x4x8x128xf32, #tpu.memory_space<hbm>>
        %dma_wait3A_209 = arith.constant 0 : i32
        %dma_wait3A_210 = arith.constant 0 : i32
        %dma_wait3A_211 = arith.constant 0 : i32
        %dma_wait3A_212 = tpu.memref_slice %arg4[%add3A_96, %dma_wait3A_209, %mul3A_203, %dma_wait3A_210, %dma_wait3A_211] : memref<50x2x128x8x128xf32, #tpu.memory_space<hbm>> -> memref<1x2x4x8x128xf32, #tpu.memory_space<hbm>>
        %dma_wait3A_213 = tpu.memref_squeeze %dma_wait3A_212 : memref<1x2x4x8x128xf32, #tpu.memory_space<hbm>> -> memref<2x4x8x128xf32, #tpu.memory_space<hbm>>
        tpu.wait_dma2 semaphore(%arg11 : memref<!tpu.dma_semaphore, #tpu.memory_space<semaphore_mem>>) src(%arg9 : memref<2x4x8x128xf32, #tpu.memory_space<vmem>>) dst(%dma_wait3A_213 : memref<2x4x8x128xf32, #tpu.memory_space<hbm>>)
      } else {
      }
      %add3A_166 = arith.constant 0 : i32
      %add3A_167 = vector.broadcast %add3A_166 : i32 to vector<16xi32>
      %add3A_168 = arith.addi %broadcast_in_dim3A_46, %add3A_167 : vector<16xi32>
      %parallel_loop3A_169 = arith.constant 0 : i32
      %parallel_loop3A_170 = arith.constant 128 : i32
      %parallel_loop3A_171 = arith.constant 1 : i32
      scf.for %parallel_loop3A_202 = %parallel_loop3A_169 to %parallel_loop3A_170 step %parallel_loop3A_171  : i32 {
        %parallel_loop3A_203 = arith.constant 0 : i32
        %parallel_loop3A_204 = arith.addi %parallel_loop3A_203, %parallel_loop3A_202 : i32
        %parallel_loop3A_205 = arith.index_cast %parallel_loop3A_204 : i32 to index
        %parallel_loop3A_206 = arith.constant 0 : index
        %parallel_loop3A_207 = tpu.vector_load %arg7[%parallel_loop3A_205, %parallel_loop3A_206] {strides = array<i32>} : memref<512x16xf32, #tpu.memory_space<vmem>>, vector<16xf32>,
        %parallel_loop3A_208 = vector.broadcast %parallel_loop3A_202 : i32 to vector<16xi32>
        %parallel_loop3A_209 = arith.addi %broadcast_in_dim3A_46, %parallel_loop3A_208 : vector<16xi32>
        tpu.vector_store_idx %arg9[%select_n3A, %add3A_168, %select_n3A_45, %parallel_loop3A_209], %parallel_loop3A_207 : memref<2x4x8x128xf32, #tpu.memory_space<vmem>>[vector<16xi32>, vector<16xi32>, vector<16xi32>, vector<16xi32>], vector<16xf32>,
      } {sc.loop_unroll_factor = 16 : i64, sc.parallel_access}
      %add3A_172 = arith.constant 1 : i32
      %add3A_173 = vector.broadcast %add3A_172 : i32 to vector<16xi32>
      %add3A_174 = arith.addi %broadcast_in_dim3A_46, %add3A_173 : vector<16xi32>
      %parallel_loop3A_175 = arith.constant 0 : i32
      %parallel_loop3A_176 = arith.constant 128 : i32
      %parallel_loop3A_177 = arith.constant 1 : i32
      scf.for %parallel_loop3A_202 = %parallel_loop3A_175 to %parallel_loop3A_176 step %parallel_loop3A_177  : i32 {
        %parallel_loop3A_203 = arith.constant 128 : i32
        %parallel_loop3A_204 = arith.addi %parallel_loop3A_203, %parallel_loop3A_202 : i32
        %parallel_loop3A_205 = arith.index_cast %parallel_loop3A_204 : i32 to index
        %parallel_loop3A_206 = arith.constant 0 : index
        %parallel_loop3A_207 = tpu.vector_load %arg7[%parallel_loop3A_205, %parallel_loop3A_206] {strides = array<i32>} : memref<512x16xf32, #tpu.memory_space<vmem>>, vector<16xf32>,
        %parallel_loop3A_208 = vector.broadcast %parallel_loop3A_202 : i32 to vector<16xi32>
        %parallel_loop3A_209 = arith.addi %broadcast_in_dim3A_46, %parallel_loop3A_208 : vector<16xi32>
        tpu.vector_store_idx %arg9[%select_n3A, %add3A_174, %select_n3A_45, %parallel_loop3A_209], %parallel_loop3A_207 : memref<2x4x8x128xf32, #tpu.memory_space<vmem>>[vector<16xi32>, vector<16xi32>, vector<16xi32>, vector<16xi32>], vector<16xf32>,
      } {sc.loop_unroll_factor = 16 : i64, sc.parallel_access}
      %add3A_178 = arith.constant 2 : i32
      %add3A_179 = vector.broadcast %add3A_178 : i32 to vector<16xi32>
      %add3A_180 = arith.addi %broadcast_in_dim3A_46, %add3A_179 : vector<16xi32>
      %parallel_loop3A_181 = arith.constant 0 : i32
      %parallel_loop3A_182 = arith.constant 128 : i32
      %parallel_loop3A_183 = arith.constant 1 : i32
      scf.for %parallel_loop3A_202 = %parallel_loop3A_181 to %parallel_loop3A_182 step %parallel_loop3A_183  : i32 {
        %parallel_loop3A_203 = arith.constant 256 : i32
        %parallel_loop3A_204 = arith.addi %parallel_loop3A_203, %parallel_loop3A_202 : i32
        %parallel_loop3A_205 = arith.index_cast %parallel_loop3A_204 : i32 to index
        %parallel_loop3A_206 = arith.constant 0 : index
        %parallel_loop3A_207 = tpu.vector_load %arg7[%parallel_loop3A_205, %parallel_loop3A_206] {strides = array<i32>} : memref<512x16xf32, #tpu.memory_space<vmem>>, vector<16xf32>,
        %parallel_loop3A_208 = vector.broadcast %parallel_loop3A_202 : i32 to vector<16xi32>
        %parallel_loop3A_209 = arith.addi %broadcast_in_dim3A_46, %parallel_loop3A_208 : vector<16xi32>
        tpu.vector_store_idx %arg9[%select_n3A, %add3A_180, %select_n3A_45, %parallel_loop3A_209], %parallel_loop3A_207 : memref<2x4x8x128xf32, #tpu.memory_space<vmem>>[vector<16xi32>, vector<16xi32>, vector<16xi32>, vector<16xi32>], vector<16xf32>,
      } {sc.loop_unroll_factor = 16 : i64, sc.parallel_access}
      %add3A_184 = arith.constant 3 : i32
      %add3A_185 = vector.broadcast %add3A_184 : i32 to vector<16xi32>
      %add3A_186 = arith.addi %broadcast_in_dim3A_46, %add3A_185 : vector<16xi32>
      %parallel_loop3A_187 = arith.constant 0 : i32
      %parallel_loop3A_188 = arith.constant 128 : i32
      %parallel_loop3A_189 = arith.constant 1 : i32
      scf.for %parallel_loop3A_202 = %parallel_loop3A_187 to %parallel_loop3A_188 step %parallel_loop3A_189  : i32 {
        %parallel_loop3A_203 = arith.constant 384 : i32
        %parallel_loop3A_204 = arith.addi %parallel_loop3A_203, %parallel_loop3A_202 : i32
        %parallel_loop3A_205 = arith.index_cast %parallel_loop3A_204 : i32 to index
        %parallel_loop3A_206 = arith.constant 0 : index
        %parallel_loop3A_207 = tpu.vector_load %arg7[%parallel_loop3A_205, %parallel_loop3A_206] {strides = array<i32>} : memref<512x16xf32, #tpu.memory_space<vmem>>, vector<16xf32>,
        %parallel_loop3A_208 = vector.broadcast %parallel_loop3A_202 : i32 to vector<16xi32>
        %parallel_loop3A_209 = arith.addi %broadcast_in_dim3A_46, %parallel_loop3A_208 : vector<16xi32>
        tpu.vector_store_idx %arg9[%select_n3A, %add3A_186, %select_n3A_45, %parallel_loop3A_209], %parallel_loop3A_207 : memref<2x4x8x128xf32, #tpu.memory_space<vmem>>[vector<16xi32>, vector<16xi32>, vector<16xi32>, vector<16xi32>], vector<16xf32>,
      } {sc.loop_unroll_factor = 16 : i64, sc.parallel_access}
      %mul3A_190 = arith.constant 4 : i32
      %mul3A_191 = arith.muli %add3A, %mul3A_190 : i32
      %dma_start3A_192 = arith.constant 0 : i32
      %dma_start3A_193 = arith.constant 0 : i32
      %dma_start3A_194 = arith.constant 0 : i32
      %dma_start3A_195 = tpu.memref_slice %arg4[%add3A_96, %dma_start3A_192, %mul3A_191, %dma_start3A_193, %dma_start3A_194] : memref<50x2x128x8x128xf32, #tpu.memory_space<hbm>> -> memref<1x2x4x8x128xf32, #tpu.memory_space<hbm>>
      %dma_start3A_196 = tpu.memref_squeeze %dma_start3A_195 : memref<1x2x4x8x128xf32, #tpu.memory_space<hbm>> -> memref<2x4x8x128xf32, #tpu.memory_space<hbm>>
      %dma_start3A_197 = arith.constant 0 : i32
      %dma_start3A_198 = arith.constant 0 : i32
      %dma_start3A_199 = arith.constant 0 : i32
      %dma_start3A_200 = tpu.memref_slice %arg4[%add3A_96, %dma_start3A_197, %mul3A_191, %dma_start3A_198, %dma_start3A_199] : memref<50x2x128x8x128xf32, #tpu.memory_space<hbm>> -> memref<1x2x4x8x128xf32, #tpu.memory_space<hbm>>
      %dma_start3A_201 = tpu.memref_squeeze %dma_start3A_200 : memref<1x2x4x8x128xf32, #tpu.memory_space<hbm>> -> memref<2x4x8x128xf32, #tpu.memory_space<hbm>>
      tpu.enqueue_dma source(%arg9 : memref<2x4x8x128xf32, #tpu.memory_space<vmem>>) target(%dma_start3A_201 : memref<2x4x8x128xf32, #tpu.memory_space<hbm>>) target_semaphore(%arg11 : memref<!tpu.dma_semaphore, #tpu.memory_space<semaphore_mem>>)
    }
    %scan3A_57 = arith.constant 25 : i32
    %dma_wait3A = arith.constant 0 : i32
    %dma_wait3A_58 = arith.constant 0 : i32
    %dma_wait3A_59 = tpu.memref_slice %arg5[%dma_wait3A, %dma_wait3A_58] : memref<50x512xi32, #tpu.memory_space<vmem>> -> memref<1x512xi32, #tpu.memory_space<vmem>>
    %dma_wait3A_60 = tpu.memref_squeeze %dma_wait3A_59 : memref<1x512xi32, #tpu.memory_space<vmem>> -> memref<512xi32, #tpu.memory_space<vmem>>
    %dma_wait3A_61 = arith.constant 0 : i32
    %dma_wait3A_62 = arith.constant 0 : i32
    %dma_wait3A_63 = tpu.memref_slice %arg3[%dma_wait3A_61, %dma_wait3A_62] : memref<1000000x16xf32, #tpu.memory_space<hbm>> -> memref<1000000x16xf32, #tpu.memory_space<hbm>>
    tpu.wait_indirect_dma semaphore(%arg10 : memref<!tpu.dma_semaphore, #tpu.memory_space<semaphore_mem>>) src(%dma_wait3A_63 : memref<1000000x16xf32, #tpu.memory_space<hbm>>) dst(%arg6 : memref<512x16xf32, #tpu.memory_space<vmem>>)
    %mul3A_64 = arith.constant 4 : i32
    %mul3A_65 = arith.muli %add3A, %mul3A_64 : i32
    %dma_wait3A_66 = arith.constant 48 : i32
    %dma_wait3A_67 = arith.constant 0 : i32
    %dma_wait3A_68 = arith.constant 0 : i32
    %dma_wait3A_69 = arith.constant 0 : i32
    %dma_wait3A_70 = tpu.memref_slice %arg4[%dma_wait3A_66, %dma_wait3A_67, %mul3A_65, %dma_wait3A_68, %dma_wait3A_69] : memref<50x2x128x8x128xf32, #tpu.memory_space<hbm>> -> memref<1x2x4x8x128xf32, #tpu.memory_space<hbm>>
    %dma_wait3A_71 = tpu.memref_squeeze %dma_wait3A_70 : memref<1x2x4x8x128xf32, #tpu.memory_space<hbm>> -> memref<2x4x8x128xf32, #tpu.memory_space<hbm>>
    %dma_wait3A_72 = arith.constant 0 : i32
    %dma_wait3A_73 = arith.constant 0 : i32
    %dma_wait3A_74 = arith.constant 0 : i32
    %dma_wait3A_75 = tpu.memref_slice %arg4[%dma_wait3A_66, %dma_wait3A_72, %mul3A_65, %dma_wait3A_73, %dma_wait3A_74] : memref<50x2x128x8x128xf32, #tpu.memory_space<hbm>> -> memref<1x2x4x8x128xf32, #tpu.memory_space<hbm>>
    %dma_wait3A_76 = tpu.memref_squeeze %dma_wait3A_75 : memref<1x2x4x8x128xf32, #tpu.memory_space<hbm>> -> memref<2x4x8x128xf32, #tpu.memory_space<hbm>>
    tpu.wait_dma2 semaphore(%arg11 : memref<!tpu.dma_semaphore, #tpu.memory_space<semaphore_mem>>) src(%arg8 : memref<2x4x8x128xf32, #tpu.memory_space<vmem>>) dst(%dma_wait3A_76 : memref<2x4x8x128xf32, #tpu.memory_space<hbm>>)
    %mul3A_77 = arith.constant 4 : i32
    %mul3A_78 = arith.muli %add3A, %mul3A_77 : i32
    %dma_wait3A_79 = arith.constant 49 : i32
    %dma_wait3A_80 = arith.constant 0 : i32
    %dma_wait3A_81 = arith.constant 0 : i32
    %dma_wait3A_82 = arith.constant 0 : i32
    %dma_wait3A_83 = tpu.memref_slice %arg4[%dma_wait3A_79, %dma_wait3A_80, %mul3A_78, %dma_wait3A_81, %dma_wait3A_82] : memref<50x2x128x8x128xf32, #tpu.memory_space<hbm>> -> memref<1x2x4x8x128xf32, #tpu.memory_space<hbm>>
    %dma_wait3A_84 = tpu.memref_squeeze %dma_wait3A_83 : memref<1x2x4x8x128xf32, #tpu.memory_space<hbm>> -> memref<2x4x8x128xf32, #tpu.memory_space<hbm>>
    %dma_wait3A_85 = arith.constant 0 : i32
    %dma_wait3A_86 = arith.constant 0 : i32
    %dma_wait3A_87 = arith.constant 0 : i32
    %dma_wait3A_88 = tpu.memref_slice %arg4[%dma_wait3A_79, %dma_wait3A_85, %mul3A_78, %dma_wait3A_86, %dma_wait3A_87] : memref<50x2x128x8x128xf32, #tpu.memory_space<hbm>> -> memref<1x2x4x8x128xf32, #tpu.memory_space<hbm>>
    %dma_wait3A_89 = tpu.memref_squeeze %dma_wait3A_88 : memref<1x2x4x8x128xf32, #tpu.memory_space<hbm>> -> memref<2x4x8x128xf32, #tpu.memory_space<hbm>>
    tpu.wait_dma2 semaphore(%arg11 : memref<!tpu.dma_semaphore, #tpu.memory_space<semaphore_mem>>) src(%arg9 : memref<2x4x8x128xf32, #tpu.memory_space<vmem>>) dst(%dma_wait3A_89 : memref<2x4x8x128xf32, #tpu.memory_space<hbm>>)
    return
  }
}

</mosaic_0001>

<sc_bundles>
// kernel: _lookup.3.cloned.1.call-start
scs
__scs_entry_jumppad:
0x0: {  	(pc) =	sbr.rel $0x88, $3  }
0x1: {  	(tag) =	ssettag $0x0;
	lr =	simm.s32 $0x1  }
0x2: {  	[smem:$0x3F9F] =	sst lr;
	_ =	strace $0xD0000000  }
0x3: {  	_ = 	snop  }
0x4: {  	_ = 	snop  }
0x5: {  	_ = 	snop  }
0x6: {  	_ = 	snop  }
0x7: {  	_ = 	snop  }
__scs_overlays_trampoline_lowered:
0x8: {  	[smem:$0x3FAE] =	sst s0  }
0x9: {  	[smem:$0x3FAF] =	sst s1  }
0xa: {  	[smem:$0x3FB0] =	sst s2  }
0xb: {  	[smem:$0x3FB1] =	sst s3  }
0xc: {  	[smem:$0x3FB2] =	sst s4  }
0xd: {  	[smem:$0x3FB3] =	sst s5  }
0xe: {  	[smem:$0x3FB4] =	sst s6  }
0xf: {  	[smem:$0x3FB5] =	sst s7  }
0x10: {  	[smem:$0x3FB6] =	sst s8  }
0x11: {  	[smem:$0x3FB7] =	sst s9;
	s0 =	simm.s32 @!p0 $0x0  }
0x12: {  	s1 =	sld [smem:$0x3F9D];
	s0 =	simm.s32 @p0 $0x1  }
0x13: {  	[smem:$0x3FB8] =	sst s0;
	s0 =	simm.s32 @!p1 $0x0  }
0x14: {  	s2 =	sld [smem:$0x3F9C];
	s0 =	simm.s32 @p1 $0x1  }
0x15: {  	[smem:$0x3FB9] =	sst s0;
	s0 =	simm.s32 @!p2 $0x0  }
0x16: {  	s3 =	sld [smem:$0x3FDB];
	s0 =	simm.s32 @p2 $0x1  }
0x17: {  	s4 =	simm.s32 $0x1BF5;
	[smem:$0x3FBB] =	sst s0  }
0x18: {  	s0 =	sld [smem:$0x3F9E];
	_ =	swait.ge [sflag:s4], $0x0  }
0x19: {  	s7 =	sld [smem:$0x3F9F]  }
0x1a: {  	s8 =	sadd.s32 $0xFFFFE003, lr  }
0x1b: {  	s9 =	sadd.s32 $0xFFFFFEF7, lr;
	s5 =	simm.s32 $0xFFFFFFFF;
	p2 =	slt.u32 s8, $0xFFFFF086  }
0x1c: {  	p1 =	slt.u32 s9, $0xF7A;
	s5 =	simm.s32 @!p2 $0x0  }
0x1d: {  	s5 =	simm.s32 @p1 $0x1;
	p0 =	seq.s32 s7, s2  }
0x1e: {  	s7 =	smul.u32 @!p0 $0xF7A, s2;
	p2 =	seq.s32 @!p0 s5, $0x0  }
0x1f: {  	s9 =	smul.u32 $0xF7A, s1;
	s8 =	simm.s32 @!p0 $0x1BF5;
	p2 =	por !p2, p0  }
0x20: {  	[sflag:s8] =	ssyncset.s32 @!p0 $0xFFFFF086;
	s6 =	sadd.s32 @!p0 s3, s7;
	s7 =	simm.s32 @!p0 $0x108  }
0x21: {  	s3 =	sadd.s32 s3, s9;
	s6 =	sadd.s32 @!p0 $0x88, s6;
	s7 =	simm.s32 @p2 $0x1082  }
0x22: {  	[simem:s7], [sflag:s8] =	dma.local @!p0 [hbm:s6], $0xF7A  }
0x23: {  	s9 =	sor.u32 $0xD0000000, s2;
	s6 =	simm.s32 $0x108;
	_ =	swait.ge @!p0 [sflag:s8], $0x0  }
0x24: {  	s3 =	sadd.s32 $0x88, s3;
	s6 =	simm.s32 @!p1 $0x1082;
	[sflag:s4] =	ssyncset.s32 $0xFFFFF086  }
0x25: {  	[simem:s6], [sflag:s4] =	dma.local [hbm:s3], $0xF7A  }
0x26: {  	[smem:$0x3F9F] =	sst s1;
	(tag) =	ssettag s2;
	_ =	strace s9  }
0x27: {  	s1 =	sld [smem:$0x3FAF]  }
0x28: {  	s2 =	sld [smem:$0x3FB0]  }
0x29: {  	s4 =	sld [smem:$0x3FB2]  }
0x2a: {  	p0 =	seq.s32 s5, $0x0;
	s5 =	sld [smem:$0x3FB3]  }
0x2b: {  	s6 =	sld [smem:$0x3FB4]  }
0x2c: {  	s7 =	sld [smem:$0x3FB5]  }
0x2d: {  	s3 =	simm.s32 $0x108;
	s8 =	sld [smem:$0x3FB6]  }
0x2e: {  	s3 =	simm.s32 @!p0 $0x1082;
	s9 =	sld [smem:$0x3FB7]  }
0x2f: {  	lr =	sadd.s32 s0, s3;
	s0 =	sld [smem:$0x3FAE]  }
0x30: {  	s3 =	sld [smem:$0x3FB1]  }
0x31: {  	[smem:$0x3FBA] =	sst s10  }
0x32: {  	s10 =	sld [smem:$0x3FB8];
	_ =	sdelay $0x3  }
0x33: {  	p0 =	seq.s32 s10, $0x1;
	s10 =	sld [smem:$0x3FBA];
	_ =	sdelay $0x3  }
0x34: {  	[smem:$0x3FBA] =	sst s10  }
0x35: {  	s10 =	sld [smem:$0x3FB9];
	_ =	sdelay $0x3  }
0x36: {  	p1 =	seq.s32 s10, $0x1;
	s10 =	sld [smem:$0x3FBA];
	_ =	sdelay $0x3  }
0x37: {  	[smem:$0x3FBA] =	sst s10  }
0x38: {  	s10 =	sld [smem:$0x3FBB]  }
0x39: {  	_ = 	snop;
	(pc) =	sbr.ind lr, $3  }
0x3a: {  	_ = 	snop  }
0x3b: {  	_ = 	snop  }
0x3c: {  	p2 =	seq.s32 s10, $0x1;
	s10 =	sld [smem:$0x3FBA]  }
0x3d: {  	_ =	shalt  }
0x3e: {  	_ =	shalt  }
0x3f: {  	_ =	shalt  }
0x40: {  	_ =	shalt  }
0x41: {  	_ =	shalt  }
0x42: {  	_ =	shalt  }
0x43: {  	_ =	shalt  }
0x44: {  	_ =	shalt  }
0x45: {  	_ =	shalt  }
0x46: {  	_ =	shalt  }
0x47: {  	_ =	shalt  }
0x48: {  	_ =	shalt  }
0x49: {  	_ =	shalt  }
0x4a: {  	_ =	shalt  }
0x4b: {  	_ =	shalt  }
0x4c: {  	_ =	shalt  }
0x4d: {  	_ =	shalt  }
0x4e: {  	_ =	shalt  }
0x4f: {  	_ =	shalt  }
0x50: {  	_ =	shalt  }
0x51: {  	_ =	shalt  }
0x52: {  	_ =	shalt  }
0x53: {  	_ =	shalt  }
0x54: {  	_ =	shalt  }
0x55: {  	_ =	shalt  }
0x56: {  	_ =	shalt  }
0x57: {  	_ =	shalt  }
0x58: {  	_ =	shalt  }
0x59: {  	_ =	shalt  }
0x5a: {  	_ =	shalt  }
0x5b: {  	_ =	shalt  }
0x5c: {  	_ =	shalt  }
0x5d: {  	_ =	shalt  }
0x5e: {  	_ =	shalt  }
0x5f: {  	_ =	shalt  }
0x60: {  	_ =	shalt  }
0x61: {  	_ =	shalt  }
0x62: {  	_ =	shalt  }
0x63: {  	_ =	shalt  }
0x64: {  	_ =	shalt  }
0x65: {  	_ =	shalt  }
0x66: {  	_ =	shalt  }
0x67: {  	_ =	shalt  }
0x68: {  	_ =	shalt  }
0x69: {  	_ =	shalt  }
0x6a: {  	_ =	shalt  }
0x6b: {  	_ =	shalt  }
0x6c: {  	_ =	shalt  }
0x6d: {  	_ =	shalt  }
0x6e: {  	_ =	shalt  }
0x6f: {  	_ =	shalt  }
0x70: {  	_ =	shalt  }
0x71: {  	_ =	shalt  }
0x72: {  	_ =	shalt  }
0x73: {  	_ =	shalt  }
0x74: {  	_ =	shalt  }
0x75: {  	_ =	shalt  }
0x76: {  	_ =	shalt  }
0x77: {  	_ =	shalt  }
0x78: {  	_ =	shalt  }
0x79: {  	_ =	shalt  }
0x7a: {  	_ =	shalt  }
0x7b: {  	_ =	shalt  }
0x7c: {  	_ =	shalt  }
0x7d: {  	_ =	shalt  }
0x7e: {  	_ =	shalt  }
0x7f: {  	_ =	shalt  }
0x80: {  	_ =	shalt  }
0x81: {  	_ =	shalt  }
0x82: {  	_ =	shalt  }
0x83: {  	_ =	shalt  }
0x84: {  	_ =	shalt  }
0x85: {  	_ =	shalt  }
0x86: {  	_ =	shalt  }
0x87: {  	_ =	shalt  }
.Lfunc_end0:
.L_simem_size_0:
called_computation_lowered:
.L_overlay_start_0:
0x88: {  	s2 =	sld [smem:$0x3FD9]  }
0x89: {  	s3 =	sld [smem:$0x3FFE];
	_ =	sdelay $0x1  }
0x8a: {  	s1 =	srdreg.scid  }
0x8b: {  	s0 =	sand.u32 $0x1, s1  }
0x8c: {  	s17 =	sshll.u32 s0, $0xA;
	s2 =	sadd.s32 s3, s2  }
0x8d: {  	s2 =	sadd.s32 s2, s17  }
0x8e: {  	[smem:$0x3FC6] =	sst s2  }
0x8f: {  	_ = 	snop  }
0x90: {  	s2 =	sld [smem:$0x3FD0];
	(tm) =	ssettm $0x1  }
0x91: {  	s18 =	sld [smem:$0x3FFB];
	_ =	sdelay $0x3  }
0x92: {  	_ =	strace s18  }
0x93: {  	s3 =	sld [smem:$0x3FFC];
	_ =	sdelay $0x3  }
0x94: {  	_ =	strace s3  }
0x95: {  	s3 =	sld [smem:$0x3FFD];
	_ =	sdelay $0x3  }
0x96: {  	_ =	strace s3  }
0x97: {  	_ =	strace $0x8FFFFFFF  }
0x98: {  	s19 =	sld [smem:$0x3FDB];
	_ =	sdelay $0x1  }
0x99: {  	s4 =	simm.s32 $_scs_section_size  }
0x9a: {  	s5 =	simm.s32 $_size__tile_overlayer_lowered;
	s6 =	simm.s32 $_tile_overlayer_lowered  }
0x9b: {  	s22 =	simm.s32 $0x1BFF;
	s21 =	sshll.u32 s6, $0x1;
	s3 =	sadd.s32 s4, s19  }
0x9c: {  	s7 =	simm.s32 $0x0;
	s20 =	sshll.u32 s5, $0x1;
	s5 =	sadd.s32 s21, s3  }
0x9d: {  	[timem:s7], [sflag:s22] =	dma.local [hbm:s5], s20  }
0x9e: {  	_ =	swait.ge [sflag:s22], s20  }
0x9f: {  	s4 =	ssub.s32 $0x0, s20;
	[sflag:s22] =	ssyncset.done $0x0  }
0xa0: {  	[sflag:s22] =	ssyncadd.s32 s4;
	_ =	sdelay $0x1  }
0xa1: {  	s23 =	simm.s32 $0x1B8B  }
0xa2: {  	_ =	swait.ge [sflag:s23], $0x1  }
0xa3: {  	[sflag:s23] =	ssyncset.done $0x0  }
0xa4: {  	s25 =	simm.s32 $0x1B8E;
	s24 =	sld [smem:$0x3FFE];
	[sflag:s23] =	ssyncadd.s32 $0xFFFFFFFF  }
0xa5: {  	s26 =	simm.s32 $execute0_lowered;
	[smem:$0x3FD2] =	sst s25  }
0xa6: {  	s5 =	sshll.u32 s26, $0x1;
	_ =	strace $0x80000046;
	[dreg:$0x1] =	wrdreg $0xFFFFFFFF  }
0xa7: {  	s28 =	simm.s32 $_size_execute0_lowered;
	s3 =	sadd.s32 s3, s5;
	[dreg:$0x0] =	wrdreg $0x0  }
0xa8: {  	s5 =	sshll.u32 s28, $0x1;
	[dreg:$0x2] =	wrdreg s3  }
0xa9: {  	[dreg:$0x3] =	wrdreg s5  }
0xaa: {  	[dreg:$0x4] =	wrdreg $0xC0  }
0xab: {  	_ =	task [dreg:s7], $0x5FFFF  }
0xac: {  	[dreg:$0x1] =	wrdreg $0xFFFFFFFF  }
0xad: {  	[dreg:$0x0] =	wrdreg $0x60  }
0xae: {  	[dreg:$0x2] =	wrdreg s24  }
0xaf: {  	[dreg:$0x3] =	wrdreg s2  }
0xb0: {  	[dreg:$0x4] =	wrdreg $0x9  }
0xb1: {  	_ =	task.clear_ibuf [dreg:s7], $0x5FFFF;
	_ =	strace $0x90000046  }
0xb2: {  	s29 =	simm.s32 $0x9;
	_ =	strace $0x80000048  }
0xb3: {  	_ =	swait.ge [sflag:s29], $0x1  }
0xb4: {  	[sflag:s29] =	ssyncadd.s32 $0xFFFFFFFF  }
0xb5: {  	_ =	strace $0x90000048  }
0xb6: {  	_ =	sfence  }
0xb7: {  	s30 =	sld [smem:$0x0];
	_ =	sdelay $0x2  }
0xb8: {  	s31 =	sshll.u32 s1, $0xD;
	s1 =	sshrl.u32 s1, $0x2  }
0xb9: {  	s3 =	sand.u32 $0x4000, s31;
	s1 =	sadd.s32 s1, s30  }
0xba: {  	s0 =	sor.u32 s3, s0;
	s1 =	sshll.u32 s1, $0x11  }
0xbb: {  	s0 =	sor.u32 s1, s0  }
0xbc: {  	s0 =	sadd.s32 $0x8F2B, s0  }
0xbd: {  	[sflag:s0] =	ssyncadd.remote.s32 $0x1  }
0xbe: {  	_ =	sfence.sel $0xFFFF  }
0xbf: {  	[dreg:$0x0] =	wrdreg $0xFFFFFFFF;
	(pc) =	sbr.abs _section_cstart, $3  }
0xc0: {  	[dreg:$0x1] =	wrdreg $0xFFFFFFFF  }
0xc1: {  	_ =	task.clear_ibuf [dreg:s7], $0x2FFFF;
	_ =	strace $0x9FFFFFFF  }
0xc2: {  	(tm) =	ssettm $0x7FFFFFFF  }
0xc3: {  	_ =	shalt  }
tec
execute0_lowered:
.L_overlay_start_1:
0x0: {  	(tag) =	ssettag $0x1  }
0x1: {  	vm11 =	vcmask $0x300  }
0x2: {  	v0 =	vimm.s32 $0x0;
	v1 =	vimm.s32 $0x1380;
	v2 =	vimm.s32 $0x1381  }
0x3: {  	vm14 =	vcmask $0x704;
	vm13 =	vcmask $0xB08;
	vm12 =	vcmask $0xF0C  }
0x4: {  	vm10 =	vcmask $0x1310;
	vm9 =	vcmask $0x1714;
	vm8 =	vcmask $0x1B18  }
0x5: {  	vm7 =	vcmask $0x1F1C;
	vm6 =	vcmask $0x2320;
	vm5 =	vcmask $0x2724  }
0x6: {  	vm4 =	vcmask $0x2B28;
	vm3 =	vcmask $0x2F2C;
	vm2 =	vcmask $0x3330  }
0x7: {  	vm1 =	vcmask $0x3734;
	vm0 =	vcmask $0x3B38;
	v3 =	vimm.s32 $0x1382  }
0x8: {  	v4 =	vimm.s32 $0x1383;
	v5 =	vimm.s32 $0x1384;
	v6 =	vimm.s32 $0x1385  }
0x9: {  	v7 =	vimm.s32 $0x1386;
	v8 =	vimm.s32 $0x1387;
	v9 =	vimm.s32 $0x1780  }
0xa: {  	v10 =	vimm.s32 $0x1781;
	v11 =	vimm.s32 $0x1782;
	v12 =	vimm.s32 $0x1783  }
0xb: {  	v13 =	vimm.s32 $0x1784;
	v14 =	vimm.s32 $0x1785;
	v15 =	vimm.s32 $0x1786  }
0xc: {  	v16 =	vimm.s32 $0x1787;
	v17 =	vimm.s32 $0x1B80;
	v18 =	vimm.s32 $0x1B81  }
0xd: {  	v19 =	vimm.s32 $0x1B82;
	v20 =	vimm.s32 $0x1B83;
	v21 =	vimm.s32 $0x1B84  }
0xe: {  	v22 =	vimm.s32 $0x1B85;
	v23 =	vimm.s32 $0x1B86;
	v24 =	vimm.s32 $0x1B87  }
0xf: {  	v25 =	vimm.s32 $0x1F80;
	v26 =	vimm.s32 $0x1F81;
	v27 =	vimm.s32 $0x1F82  }
0x10: {  	v28 =	vimm.s32 $0x1F83;
	v29 =	vimm.s32 $0x1F84;
	v30 =	vimm.s32 $0x1F85  }
0x11: {  	v31 =	vimm.s32 $0x1F86;
	v32 =	vimm.s32 $0x1F87;
	v1 =	vsel vm11, $0x0, v1  }
0x12: {  	v2 =	vsel vm11, $0x1, v2;
	v0 =	vsel vm11, $0x3, v0;
	v3 =	vsel vm11, $0x2, v3  }
0x13: {  	v4 =	vsel vm11, $0x3, v4;
	v5 =	vsel vm11, $0x4, v5;
	v6 =	vsel vm11, $0x5, v6  }
0x14: {  	v7 =	vsel vm11, $0x6, v7;
	v8 =	vsel vm11, $0x7, v8;
	v9 =	vsel vm11, $0x400, v9  }
0x15: {  	v10 =	vsel vm11, $0x401, v10;
	v11 =	vsel vm11, $0x402, v11;
	v12 =	vsel vm11, $0x403, v12  }
0x16: {  	v13 =	vsel vm11, $0x404, v13;
	v14 =	vsel vm11, $0x405, v14;
	v15 =	vsel vm11, $0x406, v15  }
0x17: {  	v16 =	vsel vm11, $0x407, v16;
	v17 =	vsel vm11, $0x800, v17;
	v18 =	vsel vm11, $0x801, v18  }
0x18: {  	v19 =	vsel vm11, $0x802, v19;
	v20 =	vsel vm11, $0x803, v20;
	v21 =	vsel vm11, $0x804, v21  }
0x19: {  	v22 =	vsel vm11, $0x805, v22;
	v23 =	vsel vm11, $0x806, v23;
	v24 =	vsel vm11, $0x807, v24  }
0x1a: {  	v25 =	vsel vm11, $0xC00, v25;
	v26 =	vsel vm11, $0xC01, v26;
	v27 =	vsel vm11, $0xC02, v27  }
0x1b: {  	v28 =	vsel vm11, $0xC03, v28;
	v29 =	vsel vm11, $0xC04, v29;
	v30 =	vsel vm11, $0xC05, v30  }
0x1c: {  	v31 =	vsel vm11, $0xC06, v31;
	v32 =	vsel vm11, $0xC07, v32;
	v1 =	vsel vm14, $0x80, v1  }
0x1d: {  	v2 =	vsel vm14, $0x81, v2;
	v3 =	vsel vm14, $0x82, v3;
	v4 =	vsel vm14, $0x83, v4  }
0x1e: {  	v5 =	vsel vm14, $0x84, v5;
	v6 =	vsel vm14, $0x85, v6;
	v7 =	vsel vm14, $0x86, v7  }
0x1f: {  	v8 =	vsel vm14, $0x87, v8;
	v9 =	vsel vm14, $0x480, v9;
	v10 =	vsel vm14, $0x481, v10  }
0x20: {  	v11 =	vsel vm14, $0x482, v11;
	v12 =	vsel vm14, $0x483, v12;
	v13 =	vsel vm14, $0x484, v13  }
0x21: {  	v14 =	vsel vm14, $0x485, v14;
	v15 =	vsel vm14, $0x486, v15;
	v16 =	vsel vm14, $0x487, v16  }
0x22: {  	v17 =	vsel vm14, $0x880, v17;
	v18 =	vsel vm14, $0x881, v18;
	v19 =	vsel vm14, $0x882, v19  }
0x23: {  	v20 =	vsel vm14, $0x883, v20;
	v21 =	vsel vm14, $0x884, v21;
	v22 =	vsel vm14, $0x885, v22  }
0x24: {  	v23 =	vsel vm14, $0x886, v23;
	v24 =	vsel vm14, $0x887, v24;
	v25 =	vsel vm14, $0xC80, v25  }
0x25: {  	v26 =	vsel vm14, $0xC81, v26;
	v27 =	vsel vm14, $0xC82, v27;
	v28 =	vsel vm14, $0xC83, v28  }
0x26: {  	v29 =	vsel vm14, $0xC84, v29;
	v30 =	vsel vm14, $0xC85, v30;
	v31 =	vsel vm14, $0xC86, v31  }
0x27: {  	v32 =	vsel vm14, $0xC87, v32;
	v1 =	vsel vm13, $0x100, v1;
	v2 =	vsel vm13, $0x101, v2  }
0x28: {  	v3 =	vsel vm13, $0x102, v3;
	v4 =	vsel vm13, $0x103, v4;
	v5 =	vsel vm13, $0x104, v5  }
0x29: {  	v6 =	vsel vm13, $0x105, v6;
	v7 =	vsel vm13, $0x106, v7;
	v8 =	vsel vm13, $0x107, v8  }
0x2a: {  	v9 =	vsel vm13, $0x500, v9;
	v10 =	vsel vm13, $0x501, v10;
	v11 =	vsel vm13, $0x502, v11  }
0x2b: {  	v12 =	vsel vm13, $0x503, v12;
	v13 =	vsel vm13, $0x504, v13;
	v14 =	vsel vm13, $0x505, v14  }
0x2c: {  	v15 =	vsel vm13, $0x506, v15;
	v16 =	vsel vm13, $0x507, v16;
	v17 =	vsel vm13, $0x900, v17  }
0x2d: {  	v18 =	vsel vm13, $0x901, v18;
	v19 =	vsel vm13, $0x902, v19;
	v20 =	vsel vm13, $0x903, v20  }
0x2e: {  	v21 =	vsel vm13, $0x904, v21;
	v22 =	vsel vm13, $0x905, v22;
	v23 =	vsel vm13, $0x906, v23  }
0x2f: {  	v24 =	vsel vm13, $0x907, v24;
	v25 =	vsel vm13, $0xD00, v25;
	v26 =	vsel vm13, $0xD01, v26  }
0x30: {  	v27 =	vsel vm13, $0xD02, v27;
	v28 =	vsel vm13, $0xD03, v28;
	v29 =	vsel vm13, $0xD04, v29  }
0x31: {  	v30 =	vsel vm13, $0xD05, v30;
	v31 =	vsel vm13, $0xD06, v31;
	v32 =	vsel vm13, $0xD07, v32  }
0x32: {  	v1 =	vsel vm12, $0x180, v1;
	v2 =	vsel vm12, $0x181, v2;
	v3 =	vsel vm12, $0x182, v3  }
0x33: {  	v4 =	vsel vm12, $0x183, v4;
	v5 =	vsel vm12, $0x184, v5;
	v6 =	vsel vm12, $0x185, v6  }
0x34: {  	v7 =	vsel vm12, $0x186, v7;
	v8 =	vsel vm12, $0x187, v8;
	v9 =	vsel vm12, $0x580, v9  }
0x35: {  	v10 =	vsel vm12, $0x581, v10;
	v11 =	vsel vm12, $0x582, v11;
	v12 =	vsel vm12, $0x583, v12  }
0x36: {  	v13 =	vsel vm12, $0x584, v13;
	v14 =	vsel vm12, $0x585, v14;
	v15 =	vsel vm12, $0x586, v15  }
0x37: {  	v16 =	vsel vm12, $0x587, v16;
	v17 =	vsel vm12, $0x980, v17;
	v18 =	vsel vm12, $0x981, v18  }
0x38: {  	v19 =	vsel vm12, $0x982, v19;
	v20 =	vsel vm12, $0x983, v20;
	v21 =	vsel vm12, $0x984, v21  }
0x39: {  	v22 =	vsel vm12, $0x985, v22;
	v23 =	vsel vm12, $0x986, v23;
	v24 =	vsel vm12, $0x987, v24  }
0x3a: {  	v25 =	vsel vm12, $0xD80, v25;
	v26 =	vsel vm12, $0xD81, v26;
	v27 =	vsel vm12, $0xD82, v27  }
0x3b: {  	v28 =	vsel vm12, $0xD83, v28;
	v29 =	vsel vm12, $0xD84, v29;
	v30 =	vsel vm12, $0xD85, v30  }
0x3c: {  	v31 =	vsel vm12, $0xD86, v31;
	v32 =	vsel vm12, $0xD87, v32;
	v1 =	vsel vm10, $0x200, v1  }
0x3d: {  	v2 =	vsel vm10, $0x201, v2;
	v3 =	vsel vm10, $0x202, v3;
	v4 =	vsel vm10, $0x203, v4  }
0x3e: {  	v5 =	vsel vm10, $0x204, v5;
	v6 =	vsel vm10, $0x205, v6;
	v7 =	vsel vm10, $0x206, v7  }
0x3f: {  	v8 =	vsel vm10, $0x207, v8;
	v9 =	vsel vm10, $0x600, v9;
	v10 =	vsel vm10, $0x601, v10  }
0x40: {  	v11 =	vsel vm10, $0x602, v11;
	v12 =	vsel vm10, $0x603, v12;
	v13 =	vsel vm10, $0x604, v13  }
0x41: {  	v14 =	vsel vm10, $0x605, v14;
	v15 =	vsel vm10, $0x606, v15;
	v16 =	vsel vm10, $0x607, v16  }
0x42: {  	v17 =	vsel vm10, $0xA00, v17;
	v18 =	vsel vm10, $0xA01, v18;
	v19 =	vsel vm10, $0xA02, v19  }
0x43: {  	v20 =	vsel vm10, $0xA03, v20;
	v21 =	vsel vm10, $0xA04, v21;
	v22 =	vsel vm10, $0xA05, v22  }
0x44: {  	v23 =	vsel vm10, $0xA06, v23;
	v24 =	vsel vm10, $0xA07, v24;
	v25 =	vsel vm10, $0xE00, v25  }
0x45: {  	v26 =	vsel vm10, $0xE01, v26;
	v27 =	vsel vm10, $0xE02, v27;
	v28 =	vsel vm10, $0xE03, v28  }
0x46: {  	v29 =	vsel vm10, $0xE04, v29;
	v30 =	vsel vm10, $0xE05, v30;
	v31 =	vsel vm10, $0xE06, v31  }
0x47: {  	v32 =	vsel vm10, $0xE07, v32;
	v1 =	vsel vm9, $0x280, v1;
	v2 =	vsel vm9, $0x281, v2  }
0x48: {  	v3 =	vsel vm9, $0x282, v3;
	v4 =	vsel vm9, $0x283, v4;
	v5 =	vsel vm9, $0x284, v5  }
0x49: {  	v6 =	vsel vm9, $0x285, v6;
	v7 =	vsel vm9, $0x286, v7;
	v8 =	vsel vm9, $0x287, v8  }
0x4a: {  	v9 =	vsel vm9, $0x680, v9;
	v10 =	vsel vm9, $0x681, v10;
	v11 =	vsel vm9, $0x682, v11  }
0x4b: {  	v12 =	vsel vm9, $0x683, v12;
	v13 =	vsel vm9, $0x684, v13;
	v14 =	vsel vm9, $0x685, v14  }
0x4c: {  	v15 =	vsel vm9, $0x686, v15;
	v16 =	vsel vm9, $0x687, v16;
	v17 =	vsel vm9, $0xA80, v17  }
0x4d: {  	v18 =	vsel vm9, $0xA81, v18;
	v19 =	vsel vm9, $0xA82, v19;
	v20 =	vsel vm9, $0xA83, v20  }
0x4e: {  	v21 =	vsel vm9, $0xA84, v21;
	v22 =	vsel vm9, $0xA85, v22;
	v23 =	vsel vm9, $0xA86, v23  }
0x4f: {  	v24 =	vsel vm9, $0xA87, v24;
	v25 =	vsel vm9, $0xE80, v25;
	v26 =	vsel vm9, $0xE81, v26  }
0x50: {  	v27 =	vsel vm9, $0xE82, v27;
	v28 =	vsel vm9, $0xE83, v28;
	v29 =	vsel vm9, $0xE84, v29  }
0x51: {  	v30 =	vsel vm9, $0xE85, v30;
	v31 =	vsel vm9, $0xE86, v31;
	v32 =	vsel vm9, $0xE87, v32  }
0x52: {  	v1 =	vsel vm8, $0x300, v1;
	v2 =	vsel vm8, $0x301, v2;
	v3 =	vsel vm8, $0x302, v3  }
0x53: {  	v4 =	vsel vm8, $0x303, v4;
	v5 =	vsel vm8, $0x304, v5;
	v6 =	vsel vm8, $0x305, v6  }
0x54: {  	v7 =	vsel vm8, $0x306, v7;
	v8 =	vsel vm8, $0x307, v8;
	v9 =	vsel vm8, $0x700, v9  }
0x55: {  	v10 =	vsel vm8, $0x701, v10;
	v11 =	vsel vm8, $0x702, v11;
	v12 =	vsel vm8, $0x703, v12  }
0x56: {  	v13 =	vsel vm8, $0x704, v13;
	v14 =	vsel vm8, $0x705, v14;
	v15 =	vsel vm8, $0x706, v15  }
0x57: {  	v16 =	vsel vm8, $0x707, v16;
	v17 =	vsel vm8, $0xB00, v17;
	v18 =	vsel vm8, $0xB01, v18  }
0x58: {  	v19 =	vsel vm8, $0xB02, v19;
	v20 =	vsel vm8, $0xB03, v20;
	v21 =	vsel vm8, $0xB04, v21  }
0x59: {  	v22 =	vsel vm8, $0xB05, v22;
	v23 =	vsel vm8, $0xB06, v23;
	v24 =	vsel vm8, $0xB07, v24  }
0x5a: {  	v25 =	vsel vm8, $0xF00, v25;
	v26 =	vsel vm8, $0xF01, v26;
	v27 =	vsel vm8, $0xF02, v27  }
0x5b: {  	v28 =	vsel vm8, $0xF03, v28;
	v29 =	vsel vm8, $0xF04, v29;
	v30 =	vsel vm8, $0xF05, v30  }
0x5c: {  	v31 =	vsel vm8, $0xF06, v31;
	v32 =	vsel vm8, $0xF07, v32;
	v1 =	vsel vm7, $0x380, v1  }
0x5d: {  	v2 =	vsel vm7, $0x381, v2;
	v3 =	vsel vm7, $0x382, v3;
	v4 =	vsel vm7, $0x383, v4  }
0x5e: {  	v5 =	vsel vm7, $0x384, v5;
	v6 =	vsel vm7, $0x385, v6;
	v7 =	vsel vm7, $0x386, v7  }
0x5f: {  	v8 =	vsel vm7, $0x387, v8;
	v9 =	vsel vm7, $0x780, v9;
	v10 =	vsel vm7, $0x781, v10  }
0x60: {  	v11 =	vsel vm7, $0x782, v11;
	v12 =	vsel vm7, $0x783, v12;
	v13 =	vsel vm7, $0x784, v13  }
0x61: {  	v14 =	vsel vm7, $0x785, v14;
	v15 =	vsel vm7, $0x786, v15;
	v16 =	vsel vm7, $0x787, v16  }
0x62: {  	v17 =	vsel vm7, $0xB80, v17;
	v18 =	vsel vm7, $0xB81, v18;
	v19 =	vsel vm7, $0xB82, v19  }
0x63: {  	v20 =	vsel vm7, $0xB83, v20;
	v21 =	vsel vm7, $0xB84, v21;
	v22 =	vsel vm7, $0xB85, v22  }
0x64: {  	v23 =	vsel vm7, $0xB86, v23;
	v24 =	vsel vm7, $0xB87, v24;
	v25 =	vsel vm7, $0xF80, v25  }
0x65: {  	v26 =	vsel vm7, $0xF81, v26;
	v27 =	vsel vm7, $0xF82, v27;
	v28 =	vsel vm7, $0xF83, v28  }
0x66: {  	v29 =	vsel vm7, $0xF84, v29;
	v30 =	vsel vm7, $0xF85, v30;
	v31 =	vsel vm7, $0xF86, v31  }
0x67: {  	v32 =	vsel vm7, $0xF87, v32;
	v1 =	vsel vm6, $0x1000, v1;
	v2 =	vsel vm6, $0x1001, v2  }
0x68: {  	v3 =	vsel vm6, $0x1002, v3;
	v4 =	vsel vm6, $0x1003, v4;
	v5 =	vsel vm6, $0x1004, v5  }
0x69: {  	v6 =	vsel vm6, $0x1005, v6;
	v7 =	vsel vm6, $0x1006, v7;
	v8 =	vsel vm6, $0x1007, v8  }
0x6a: {  	v9 =	vsel vm6, $0x1400, v9;
	v10 =	vsel vm6, $0x1401, v10;
	v11 =	vsel vm6, $0x1402, v11  }
0x6b: {  	v12 =	vsel vm6, $0x1403, v12;
	v13 =	vsel vm6, $0x1404, v13;
	v14 =	vsel vm6, $0x1405, v14  }
0x6c: {  	v15 =	vsel vm6, $0x1406, v15;
	v16 =	vsel vm6, $0x1407, v16;
	v17 =	vsel vm6, $0x1800, v17  }
0x6d: {  	v18 =	vsel vm6, $0x1801, v18;
	v19 =	vsel vm6, $0x1802, v19;
	v20 =	vsel vm6, $0x1803, v20  }
0x6e: {  	v21 =	vsel vm6, $0x1804, v21;
	v22 =	vsel vm6, $0x1805, v22;
	v23 =	vsel vm6, $0x1806, v23  }
0x6f: {  	v24 =	vsel vm6, $0x1807, v24;
	v25 =	vsel vm6, $0x1C00, v25;
	v26 =	vsel vm6, $0x1C01, v26  }
0x70: {  	v27 =	vsel vm6, $0x1C02, v27;
	v28 =	vsel vm6, $0x1C03, v28;
	v29 =	vsel vm6, $0x1C04, v29  }
0x71: {  	v30 =	vsel vm6, $0x1C05, v30;
	v31 =	vsel vm6, $0x1C06, v31;
	v32 =	vsel vm6, $0x1C07, v32  }
0x72: {  	v1 =	vsel vm5, $0x1080, v1;
	v2 =	vsel vm5, $0x1081, v2;
	v3 =	vsel vm5, $0x1082, v3  }
0x73: {  	v4 =	vsel vm5, $0x1083, v4;
	v5 =	vsel vm5, $0x1084, v5;
	v6 =	vsel vm5, $0x1085, v6  }
0x74: {  	v7 =	vsel vm5, $0x1086, v7;
	v8 =	vsel vm5, $0x1087, v8;
	v9 =	vsel vm5, $0x1480, v9  }
0x75: {  	v10 =	vsel vm5, $0x1481, v10;
	v11 =	vsel vm5, $0x1482, v11;
	v12 =	vsel vm5, $0x1483, v12  }
0x76: {  	v13 =	vsel vm5, $0x1484, v13;
	v14 =	vsel vm5, $0x1485, v14;
	v15 =	vsel vm5, $0x1486, v15  }
0x77: {  	v16 =	vsel vm5, $0x1487, v16;
	v17 =	vsel vm5, $0x1880, v17;
	v18 =	vsel vm5, $0x1881, v18  }
0x78: {  	v19 =	vsel vm5, $0x1882, v19;
	v20 =	vsel vm5, $0x1883, v20;
	v21 =	vsel vm5, $0x1884, v21  }
0x79: {  	v22 =	vsel vm5, $0x1885, v22;
	v23 =	vsel vm5, $0x1886, v23;
	v24 =	vsel vm5, $0x1887, v24  }
0x7a: {  	v25 =	vsel vm5, $0x1C80, v25;
	v26 =	vsel vm5, $0x1C81, v26;
	v27 =	vsel vm5, $0x1C82, v27  }
0x7b: {  	v28 =	vsel vm5, $0x1C83, v28;
	v29 =	vsel vm5, $0x1C84, v29;
	v30 =	vsel vm5, $0x1C85, v30  }
0x7c: {  	v31 =	vsel vm5, $0x1C86, v31;
	v32 =	vsel vm5, $0x1C87, v32;
	v1 =	vsel vm4, $0x1100, v1  }
0x7d: {  	v2 =	vsel vm4, $0x1101, v2;
	v3 =	vsel vm4, $0x1102, v3;
	v4 =	vsel vm4, $0x1103, v4  }
0x7e: {  	v5 =	vsel vm4, $0x1104, v5;
	v6 =	vsel vm4, $0x1105, v6;
	v7 =	vsel vm4, $0x1106, v7  }
0x7f: {  	v8 =	vsel vm4, $0x1107, v8;
	v9 =	vsel vm4, $0x1500, v9;
	v10 =	vsel vm4, $0x1501, v10  }
0x80: {  	v11 =	vsel vm4, $0x1502, v11;
	v12 =	vsel vm4, $0x1503, v12;
	v13 =	vsel vm4, $0x1504, v13  }
0x81: {  	v14 =	vsel vm4, $0x1505, v14;
	v15 =	vsel vm4, $0x1506, v15;
	v16 =	vsel vm4, $0x1507, v16  }
0x82: {  	v17 =	vsel vm4, $0x1900, v17;
	v18 =	vsel vm4, $0x1901, v18;
	v19 =	vsel vm4, $0x1902, v19  }
0x83: {  	v20 =	vsel vm4, $0x1903, v20;
	v21 =	vsel vm4, $0x1904, v21;
	v22 =	vsel vm4, $0x1905, v22  }
0x84: {  	v23 =	vsel vm4, $0x1906, v23;
	v24 =	vsel vm4, $0x1907, v24;
	v25 =	vsel vm4, $0x1D00, v25  }
0x85: {  	v26 =	vsel vm4, $0x1D01, v26;
	v27 =	vsel vm4, $0x1D02, v27;
	v28 =	vsel vm4, $0x1D03, v28  }
0x86: {  	v29 =	vsel vm4, $0x1D04, v29;
	v30 =	vsel vm4, $0x1D05, v30;
	v31 =	vsel vm4, $0x1D06, v31  }
0x87: {  	v32 =	vsel vm4, $0x1D07, v32;
	v1 =	vsel vm3, $0x1180, v1;
	v2 =	vsel vm3, $0x1181, v2  }
0x88: {  	v3 =	vsel vm3, $0x1182, v3;
	v4 =	vsel vm3, $0x1183, v4;
	v5 =	vsel vm3, $0x1184, v5  }
0x89: {  	v6 =	vsel vm3, $0x1185, v6;
	v7 =	vsel vm3, $0x1186, v7;
	v8 =	vsel vm3, $0x1187, v8  }
0x8a: {  	v9 =	vsel vm3, $0x1580, v9;
	v10 =	vsel vm3, $0x1581, v10;
	v11 =	vsel vm3, $0x1582, v11  }
0x8b: {  	v12 =	vsel vm3, $0x1583, v12;
	v13 =	vsel vm3, $0x1584, v13;
	v14 =	vsel vm3, $0x1585, v14  }
0x8c: {  	v15 =	vsel vm3, $0x1586, v15;
	v16 =	vsel vm3, $0x1587, v16;
	v17 =	vsel vm3, $0x1980, v17  }
0x8d: {  	v18 =	vsel vm3, $0x1981, v18;
	v19 =	vsel vm3, $0x1982, v19;
	v20 =	vsel vm3, $0x1983, v20  }
0x8e: {  	v21 =	vsel vm3, $0x1984, v21;
	v22 =	vsel vm3, $0x1985, v22;
	v23 =	vsel vm3, $0x1986, v23  }
0x8f: {  	v24 =	vsel vm3, $0x1987, v24;
	v25 =	vsel vm3, $0x1D80, v25;
	v26 =	vsel vm3, $0x1D81, v26  }
0x90: {  	v27 =	vsel vm3, $0x1D82, v27;
	v28 =	vsel vm3, $0x1D83, v28;
	v29 =	vsel vm3, $0x1D84, v29  }
0x91: {  	v30 =	vsel vm3, $0x1D85, v30;
	v31 =	vsel vm3, $0x1D86, v31;
	v32 =	vsel vm3, $0x1D87, v32  }
0x92: {  	v1 =	vsel vm2, $0x1200, v1;
	v2 =	vsel vm2, $0x1201, v2;
	v3 =	vsel vm2, $0x1202, v3  }
0x93: {  	v4 =	vsel vm2, $0x1203, v4;
	v5 =	vsel vm2, $0x1204, v5;
	v6 =	vsel vm2, $0x1205, v6  }
0x94: {  	v7 =	vsel vm2, $0x1206, v7;
	v8 =	vsel vm2, $0x1207, v8;
	v9 =	vsel vm2, $0x1600, v9  }
0x95: {  	v10 =	vsel vm2, $0x1601, v10;
	v11 =	vsel vm2, $0x1602, v11;
	v12 =	vsel vm2, $0x1603, v12  }
0x96: {  	v13 =	vsel vm2, $0x1604, v13;
	v14 =	vsel vm2, $0x1605, v14;
	v15 =	vsel vm2, $0x1606, v15  }
0x97: {  	v16 =	vsel vm2, $0x1607, v16;
	v17 =	vsel vm2, $0x1A00, v17;
	v18 =	vsel vm2, $0x1A01, v18  }
0x98: {  	v19 =	vsel vm2, $0x1A02, v19;
	v20 =	vsel vm2, $0x1A03, v20;
	v21 =	vsel vm2, $0x1A04, v21  }
0x99: {  	v22 =	vsel vm2, $0x1A05, v22;
	v23 =	vsel vm2, $0x1A06, v23;
	v24 =	vsel vm2, $0x1A07, v24  }
0x9a: {  	v25 =	vsel vm2, $0x1E00, v25;
	v26 =	vsel vm2, $0x1E01, v26;
	v27 =	vsel vm2, $0x1E02, v27  }
0x9b: {  	v28 =	vsel vm2, $0x1E03, v28;
	v29 =	vsel vm2, $0x1E04, v29;
	v30 =	vsel vm2, $0x1E05, v30  }
0x9c: {  	v31 =	vsel vm2, $0x1E06, v31;
	v32 =	vsel vm2, $0x1E07, v32;
	v1 =	vsel vm1, $0x1280, v1  }
0x9d: {  	v2 =	vsel vm1, $0x1281, v2;
	v3 =	vsel vm1, $0x1282, v3;
	v4 =	vsel vm1, $0x1283, v4  }
0x9e: {  	v5 =	vsel vm1, $0x1284, v5;
	v6 =	vsel vm1, $0x1285, v6;
	v7 =	vsel vm1, $0x1286, v7  }
0x9f: {  	v8 =	vsel vm1, $0x1287, v8;
	v9 =	vsel vm1, $0x1680, v9;
	v10 =	vsel vm1, $0x1681, v10  }
0xa0: {  	v11 =	vsel vm1, $0x1682, v11;
	v12 =	vsel vm1, $0x1683, v12;
	v13 =	vsel vm1, $0x1684, v13  }
0xa1: {  	v14 =	vsel vm1, $0x1685, v14;
	v15 =	vsel vm1, $0x1686, v15;
	v16 =	vsel vm1, $0x1687, v16  }
0xa2: {  	v17 =	vsel vm1, $0x1A80, v17;
	v18 =	vsel vm1, $0x1A81, v18;
	v19 =	vsel vm1, $0x1A82, v19  }
0xa3: {  	v20 =	vsel vm1, $0x1A83, v20;
	v21 =	vsel vm1, $0x1A84, v21;
	v22 =	vsel vm1, $0x1A85, v22  }
0xa4: {  	v23 =	vsel vm1, $0x1A86, v23;
	v24 =	vsel vm1, $0x1A87, v24;
	v25 =	vsel vm1, $0x1E80, v25  }
0xa5: {  	v26 =	vsel vm1, $0x1E81, v26;
	v27 =	vsel vm1, $0x1E82, v27;
	v28 =	vsel vm1, $0x1E83, v28  }
0xa6: {  	s0 =	rddreg [dreg:$0x0];
	v29 =	vsel vm1, $0x1E84, v29;
	v30 =	vsel vm1, $0x1E85, v30;
	v31 =	vsel vm1, $0x1E86, v31  }
0xa7: {  	s1 =	rddreg [dreg:$0x1];
	v32 =	vsel vm1, $0x1E87, v32;
	v1 =	vsel vm0, $0x1300, v1;
	v2 =	vsel vm0, $0x1301, v2  }
0xa8: {  	s4 =	srdreg.scid;
	s2 =	stileid.u32;
	v3 =	vsel vm0, $0x1302, v3;
	v4 =	vsel vm0, $0x1303, v4;
	v5 =	vsel vm0, $0x1304, v5  }
0xa9: {  	s3 =	simm.s32 $0x0;
	s10 =	simm.s32 $0x3;
	s11 =	simm.s32 $0x6400;
	v6 =	vsel vm0, $0x1305, v6;
	v7 =	vsel vm0, $0x1306, v7;
	v8 =	vsel vm0, $0x1307, v8  }
0xaa: {  	s12 =	simm.s32 $0x8400;
	s13 =	simm.s32 $0x1;
	s14 =	simm.s32 $0xA400;
	v9 =	vsel vm0, $0x1700, v9;
	v10 =	vsel vm0, $0x1701, v10;
	v11 =	vsel vm0, $0x1702, v11  }
0xab: {  	s15 =	simm.s32 $0x1000;
	s16 =	simm.s32 $0x20000;
	s17 =	simm.s32 $0xC400;
	v12 =	vsel vm0, $0x1703, v12;
	v13 =	vsel vm0, $0x1704, v13;
	v14 =	vsel vm0, $0x1705, v14  }
0xac: {  	s18 =	simm.s32 $0x2;
	s19 =	simm.s32 $0x0;
	s4 =	sand.u32 $0x1, s4;
	v15 =	vsel vm0, $0x1706, v15;
	v16 =	vsel vm0, $0x1707, v16;
	v17 =	vsel vm0, $0x1B00, v17  }
.Ltmp0:
0xad: {  	s5 =	sshll.u32 s2, $0x1;
	[smem:$0x7FF] =	sst s3;
	v18 =	vsel vm0, $0x1B01, v18;
	v19 =	vsel vm0, $0x1B02, v19;
	v20 =	vsel vm0, $0x1B03, v20;
	(pc) =	sbr.rel .LBB2_1-.Ltmp0, $4  }
0xae: {  	s6 =	sor.u32 s4, s5;
	s29 =	ssub.s32 $0x2, s4;
	_ =	strace $0x80000047;
	v21 =	vsel vm0, $0x1B04, v21;
	v22 =	vsel vm0, $0x1B05, v22;
	v23 =	vsel vm0, $0x1B06, v23  }
0xaf: {  	s4 =	sadd.s32 $0xF42A00, s0;
	s30 =	sshll.u32 s6, $0x6;
	s7 =	sshrl.u32 s29, $0x1;
	v24 =	vsel vm0, $0x1B07, v24;
	v25 =	vsel vm0, $0x1F00, v25;
	v26 =	vsel vm0, $0x1F01, v26  }
0xb0: {  	s6 =	sshll.u32 s6, $0xC;
	s8 =	sadd.s32 s30, s0;
	s31 =	ssub.s32 s29, s7;
	v27 =	vsel vm0, $0x1F02, v27;
	v28 =	vsel vm0, $0x1F03, v28;
	v29 =	vsel vm0, $0x1F04, v29  }
0xb1: {  	s5 =	sadd.s32 $0x600, s8;
	s7 =	smax.u32 s31, $0x1;
	s8 =	simm.s32 $0x200;
	v30 =	vsel vm0, $0x1F05, v30;
	v31 =	vsel vm0, $0x1F06, v31;
	v32 =	vsel vm0, $0x1F07, v32  }
.LBB2_29:
0xb2: {  	_ =	swait.ge [sflag:s13], $0x2000  }
0xb3: {  	[sflag:s13] =	ssyncset.done $0x0  }
0xb4: {  	s19 =	sadd.s32 $0x1, s19;
	[sflag:s13] =	ssyncadd.s32 $0xFFFFE000  }
0xb5: {  	p0 =	sne.s32 s19, s7;
	_ =	swait.ge [sflag:s18], $0x2000  }
.Ltmp1:
0xb6: {  	[sflag:s18] =	ssyncset.done $0x0;
	(pc) =	sbr.rel @!p0 .LBB2_30-.Ltmp1, $4  }
0xb7: {  	[sflag:s18] =	ssyncadd.s32 $0xFFFFE000  }
0xb8: {  	_ =	swait.ge [sflag:s18], $0x2000  }
0xb9: {  	[sflag:s18] =	ssyncset.done $0x0  }
0xba: {  	[sflag:s18] =	ssyncadd.s32 $0xFFFFE000  }
.LBB2_1:
0xbb: {  	s0 =	simm.s32 $0x4000  }
0xbc: {  	[tilespmem:s3], [sflag:$0x3] =	stream.strided.gather [hbm4b:s5+s8], $0x6400, s0, s8, $0x38;
	[tilespmem:$0xE400] =	vst v63  }
0xbd: {  	_ =	swait.ge [sflag:s10], $0x6400  }
0xbe: {  	[sflag:s10] =	ssyncset.done $0x0  }
0xbf: {  	s20 =	simm.s32 $0x0;
	[sflag:s10] =	ssyncadd.s32 $0xFFFF9C00  }
0xc0: {  	[tilespmem:s11], [sflag:$0x1] =	stream.indirect.gather [hbm4b:s4+s8], $0x10, s3, s8, $0xb8;
	[tilespmem:$0xE400] =	vst v63  }
.LBB2_2:
0xc1: {  	s21 =	sshllo.u32 s20, $0x1;
	s23 =	simm.s32 $0x0  }
0xc2: {  	s29 =	simm.s32 $0x1;
	s22 =	simm.s32 $0x2;
	s24 =	simm.s32 $0x3  }
0xc3: {  	s30 =	simm.s32 $0x4;
	s31 =	simm.s32 $0x5;
	s2 =	simm.s32 $0x8  }
0xc4: {  	s9 =	simm.s32 $0x9;
	s25 =	simm.s32 $0x6;
	s0 =	sshll.u32 s21, $0x9;
	v33 =	vmov s23;
	v34 =	vmov s29;
	v35 =	vmov s22  }
0xc5: {  	v36 =	vmov s24;
	v37 =	vmov s30;
	v38 =	vmov s31;
	s22 =	simm.s32 $0xB;
	s24 =	simm.s32 $0xC;
	s0 =	sand.u32 $0x3FFFFE00, s0  }
0xc6: {  	v39 =	vmov s2;
	v40 =	vmov s9;
	[tilespmem:s12], [sflag:$0x1] =	stream.indirect.gather [hbm4b:s4+s8], $0x10, s0, s8, $0xb8;
	[tilespmem:$0xE400] =	vst v63  }
0xc7: {  	v41 =	vmov s25;
	s25 =	simm.s32 $0xE;
	v42 =	vmov s22;
	v43 =	vmov s24;
	_ =	swait.ge [sflag:s13], $0x2000  }
0xc8: {  	p0 =	seq.s32 s20, $0x0;
	s29 =	simm.s32 $0xA;
	v36 =	vshrl.u32 v36, $0x3;
	v39 =	vshrl.u32 v39, $0x3;
	v44 =	vmov s25;
	[sflag:s13] =	ssyncset.done $0x0  }
0xc9: {  	s30 =	simm.s32 $0x7;
	v34 =	vshrl.u32 v34, $0x3;
	v45 =	vshrl.u32 v35, $0x3;
	v46 =	vmov s29;
	s0 =	simm.s32 @!p0 $0x2;
	[sflag:s13] =	ssyncadd.s32 $0xFFFFE000  }
0xca: {  	v47 =	vshrl.u32 v33, $0x3;
	v37 =	vshrl.u32 v37, $0x3;
	v49 =	vor.u32 s30, v8;
	_ =	swait.ge @!p0 [sflag:s0], $0x2000  }
0xcb: {  	s26 =	simm.s32 $0xD;
	v40 =	vshrl.u32 v40, $0x3;
	v38 =	vshrl.u32 v38, $0x3;
	v59 =	vshll.u32 v39, v0;
	[sflag:s0] =	ssyncset.done @!p0 $0x0  }
0xcc: {  	s25 =	simm.s32 $0x6480;
	v60 =	vshrl.u32 v42, $0x3;
	v42 =	vmov s26;
	v44 =	vshrl.u32 v44, $0x3;
	[sflag:s0] =	ssyncadd.s32 @!p0 $0xFFFFE000  }
0xcd: {  	v43 =	vshrl.u32 v43, $0x3;
	v35 =	vbroadcast v59, $0x0;
	v61 =	vshll.u32 v44, v0;
	v48 =	vld [tilespmem:s25+$0x0]  }
0xce: {  	v62 =	vshll.u32 v34, v0;
	v47 =	vshll.u32 v47, v0;
	v33 =	vbroadcast v61, $0x0;
	v34 =	vld [tilespmem:s25+$0xFFFFFF80]  }
0xcf: {  	v39 =	vshll.u32 v60, v0;
	v44 =	vbroadcast v62, $0x0;
	v35 =	vor.u32 v1, v35;
	v50 =	vld [tilespmem:s25+$0x60]  }
0xd0: {  	v37 =	vshll.u32 v37, v0;
	v39 =	vbroadcast v39, $0x0;
	v51 =	vor.u32 v7, v33;
	v52 =	vld [tilespmem:s25+$0xFFFFFF90]  }
0xd1: {  	v40 =	vshll.u32 v40, v0;
	v45 =	vshll.u32 v45, v0;
	v44 =	vor.u32 v2, v44;
	v53 =	vld [tilespmem:s25+$0x30]  }
0xd2: {  	v43 =	vshll.u32 v43, v0;
	v37 =	vbroadcast v37, $0x0;
	v39 =	vor.u32 v4, v39;
	v54 =	vld [tilespmem:s25+$0xFFFFFFF0]  }
0xd3: {  	v36 =	vshll.u32 v36, v0;
	v38 =	vshll.u32 v38, v0;
	v43 =	vbroadcast v43, $0x0;
	v55 =	vld [tilespmem:s25+$0xFFFFFFC0]  }
0xd4: {  	v36 =	vbroadcast v36, $0x0;
	v57 =	vbroadcast v40, $0x0;
	v56 =	vor.u32 v5, v37;
	v59 =	vld [tilespmem:s25+$0x40];
	[tilespmem:v35+s14+$0x0] =	vst.idx.msk $0xffff, v48  }
0xd5: {  	v63 =	vbroadcast v45, $0x0;
	v58 =	vbroadcast v38, $0x0;
	v60 =	vor.u32 v5, v43;
	v43 =	vld [tilespmem:s25+$0x70];
	[tilespmem:v51+s14+$0x0] =	vst.idx.msk $0xffff, v50  }
0xd6: {  	s31 =	simm.s32 $0xF;
	v62 =	vshrl.u32 v46, $0x3;
	v61 =	vshrl.u32 v42, $0x3;
	v36 =	vor.u32 v4, v36;
	v40 =	vld [tilespmem:s25+$0xFFFFFFD0];
	[tilespmem:v44+s14+$0x0] =	vst.idx.msk $0xffff, v52  }
0xd7: {  	v38 =	vor.u32 v3, v63;
	v37 =	vld [tilespmem:s25+$0xFFFFFFB0];
	[tilespmem:v39+s14+$0x0] =	vst.idx.msk $0xffff, v53;
	v44 =	vor.u32 s31, v8;
	v39 =	vshll.u32 v61, v0  }
0xd8: {  	v42 =	vor.u32 v6, v58;
	v63 =	vshrl.u32 v41, $0x3;
	v45 =	vld [tilespmem:s25+$0x10];
	[tilespmem:v49+s14+$0x0] =	vst.idx.msk $0xffff, v54;
	v39 =	vbroadcast v39, $0x0  }
0xd9: {  	s28 =	simm.s32 $0x6580;
	v46 =	vor.u32 v2, v57;
	v41 =	vld [tilespmem:s25+$0xFFFFFFA0];
	v48 =	vbroadcast v47, $0x0;
	[tilespmem:v56+s14+$0x0] =	vst.idx.msk $0xffff, v55;
	v47 =	vshll.u32 v62, v0  }
0xda: {  	s22 =	sshll.u32 s20, $0x1;
	s24 =	simm.s32 $0x6CF0;
	s26 =	simm.s32 $0x10;
	v35 =	vld [tilespmem:s25+$0x50];
	v49 =	vshll.u32 v63, v0;
	[tilespmem:v60+s14+$0x0] =	vst.idx.msk $0xffff, v59;
	v47 =	vbroadcast v47, $0x0;
	v39 =	vor.u32 v6, v39  }
.LBB2_3:
0xdb: {  	s0 =	sadd.s32 $0x1, s26  }
0xdc: {  	v50 =	vld [tilespmem:s28+$0xFFFFFF80];
	v51 =	vmov s26;
	s30 =	sadd.s32 $0x2, s26;
	s31 =	sadd.s32 $0x3, s26;
	v48 =	vor.u32 v1, v48;
	v49 =	vbroadcast v49, $0x0;
	[tilespmem:v44+s14+$0x0] =	vst.idx.msk $0xffff, v43;
	s29 =	smov.u32 s26  }
0xdd: {  	v43 =	vmov s0;
	v44 =	vmov s30;
	v52 =	vmov s31;
	s0 =	sadd.s32 $0x4, s26;
	s30 =	sadd.s32 $0x5, s26;
	s31 =	sadd.s32 $0x6, s26;
	[tilespmem:v42+s14+$0x0] =	vst.idx.msk $0xffff, v40  }
0xde: {  	s2 =	sadd.s32 $0xA, s26;
	v40 =	vmov s0;
	v42 =	vmov s30;
	s0 =	sadd.s32 $0x8, s26;
	s30 =	sadd.s32 $0x9, s26;
	v53 =	vld [tilespmem:s25+$0xFFFFFFE0];
	v49 =	vor.u32 v7, v49  }
0xdf: {  	s9 =	sadd.s32 $0xD, s26;
	v54 =	vmov s0;
	v55 =	vmov s30;
	s0 =	sadd.s32 $0xB, s26;
	s30 =	sadd.s32 $0xC, s26;
	[tilespmem:v46+s14+$0x0] =	vst.idx.msk $0xffff, v45;
	v45 =	vld [tilespmem:s25+$0x20];
	v46 =	vor.u32 v3, v47  }
0xe0: {  	p1 =	slt.u32 s26, $0x70;
	v47 =	vmov s31;
	s26 =	sadd.s32 $0x10, s26;
	v56 =	vmov s0;
	v57 =	vmov s30;
	s0 =	sadd.s32 $0xE, s29;
	[tilespmem:v38+s14+$0x0] =	vst.idx.msk $0xffff, v41  }
0xe1: {  	s25 =	smov.u32 s28;
	v38 =	vshrl.u32 v52, $0x3;
	v41 =	vshrl.u32 v54, $0x3;
	v52 =	vmov s0;
	[tilespmem:v48+s14+$0x0] =	vst.idx.msk $0xffff, v34;
	v34 =	vmovc v50  }
0xe2: {  	v43 =	vshrl.u32 v43, $0x3;
	v44 =	vshrl.u32 v44, $0x3;
	v41 =	vshll.u32 v41, v0;
	[tilespmem:v36+s14+$0x0] =	vst.idx.msk $0xffff, v37  }
0xe3: {  	v36 =	vbroadcast v41, $0x0;
	v37 =	vshrl.u32 v56, $0x3;
	v41 =	vmov s9;
	[tilespmem:v49+s14+$0x0] =	vst.idx.msk $0xffff, v53  }
0xe4: {  	v48 =	vshrl.u32 v57, $0x3;
	v50 =	vshrl.u32 v52, $0x3;
	v49 =	vmov s2;
	[tilespmem:v46+s14+$0x0] =	vst.idx.msk $0xffff, v45  }
0xe5: {  	v45 =	vshrl.u32 v51, $0x3;
	v36 =	vor.u32 v1, v36;
	v46 =	vshll.u32 v50, v0;
	[tilespmem:v39+s14+$0x0] =	vst.idx.msk $0xffff, v35  }
0xe6: {  	v37 =	vshll.u32 v37, v0;
	v35 =	vshll.u32 v43, v0;
	v43 =	vbroadcast v46, $0x0;
	v39 =	vld [tilespmem:s28+$0x0]  }
0xe7: {  	v40 =	vshrl.u32 v40, $0x3;
	s0 =	sadd.s32 $0x7, s29;
	v46 =	vshll.u32 v48, v0;
	v35 =	vbroadcast v35, $0x0  }
0xe8: {  	v50 =	vor.u32 s0, v8;
	v37 =	vbroadcast v37, $0x0;
	v43 =	vor.u32 v7, v43;
	v48 =	vld [tilespmem:s28+$0x60]  }
0xe9: {  	v46 =	vbroadcast v46, $0x0;
	v52 =	vor.u32 v2, v35;
	v35 =	vshrl.u32 v55, $0x3;
	v51 =	vld [tilespmem:s28+$0xFFFFFF90]  }
0xea: {  	v40 =	vshll.u32 v40, v0;
	v45 =	vshll.u32 v45, v0;
	v37 =	vor.u32 v4, v37;
	v53 =	vld [tilespmem:s28+$0x30]  }
0xeb: {  	v42 =	vshrl.u32 v42, $0x3;
	v40 =	vbroadcast v40, $0x0;
	[tilespmem:v36+s14+$0x0] =	vst.idx.msk $0xffff, v39;
	v36 =	vshll.u32 v35, v0;
	v35 =	vld [tilespmem:s28+$0x50]  }
0xec: {  	v42 =	vshll.u32 v42, v0;
	v38 =	vshll.u32 v38, v0;
	v39 =	vshll.u32 v44, v0;
	v54 =	vld [tilespmem:s28+$0xFFFFFFF0]  }
0xed: {  	v38 =	vbroadcast v38, $0x0;
	v56 =	vor.u32 v5, v40;
	v57 =	vbroadcast v36, $0x0;
	v55 =	vld [tilespmem:s28+$0xFFFFFFC0];
	[tilespmem:v43+s14+$0x0] =	vst.idx.msk $0xffff, v48  }
0xee: {  	v42 =	vbroadcast v42, $0x0;
	s0 =	sadd.s32 $0xF, s29;
	v39 =	vbroadcast v39, $0x0;
	[tilespmem:v52+s14+$0x0] =	vst.idx.msk $0xffff, v51;
	v51 =	vld [tilespmem:s28+$0x40];
	v52 =	vor.u32 v5, v46  }
.Ltmp2:
0xef: {  	v44 =	vor.u32 s0, v8;
	v36 =	vor.u32 v4, v38;
	[tilespmem:v37+s14+$0x0] =	vst.idx.msk $0xffff, v53;
	v37 =	vshrl.u32 v41, $0x3;
	v43 =	vld [tilespmem:s28+$0x70];
	(pc) =	sbr.rel @p1 .LBB2_3-.Ltmp2, $4  }
0xf0: {  	v42 =	vor.u32 v6, v42;
	v38 =	vor.u32 v3, v39;
	v40 =	vld [tilespmem:s28+$0xFFFFFFD0];
	v39 =	vshll.u32 v37, v0  }
0xf1: {  	v48 =	vbroadcast v45, $0x0;
	v41 =	vshrl.u32 v49, $0x3;
	v37 =	vld [tilespmem:s28+$0xFFFFFFB0];
	[tilespmem:v50+s14+$0x0] =	vst.idx.msk $0xffff, v54;
	v39 =	vbroadcast v39, $0x0  }
0xf2: {  	v47 =	vshrl.u32 v47, $0x3;
	v46 =	vor.u32 v2, v57;
	v50 =	vshll.u32 v41, v0;
	[tilespmem:v56+s14+$0x0] =	vst.idx.msk $0xffff, v55;
	v45 =	vld [tilespmem:s28+$0x10]  }
0xf3: {  	v49 =	vshll.u32 v47, v0;
	v47 =	vbroadcast v50, $0x0;
	s28 =	sadd.s32 $0x100, s28;
	v41 =	vld [tilespmem:s25+$0xFFFFFFA0];
	[tilespmem:v52+s14+$0x0] =	vst.idx.msk $0xffff, v51;
	v39 =	vor.u32 v6, v39  }
0xf4: {  	_ =	sdelay $0x3  }
0xf5: {  	[tilespmem:v44+s14+$0x0] =	vst.idx.msk $0xffff, v43  }
0xf6: {  	v48 =	vor.u32 v1, v48;
	v49 =	vbroadcast v49, $0x0;
	[tilespmem:v39+s14+$0x0] =	vst.idx.msk $0xffff, v35  }
0xf7: {  	v52 =	vld [tilespmem:s25+$0x20];
	[tilespmem:v42+s14+$0x0] =	vst.idx.msk $0xffff, v40;
	v53 =	vor.u32 v3, v47  }
0xf8: {  	v50 =	vld [tilespmem:s25+$0xFFFFFFE0];
	v51 =	vor.u32 v7, v49;
	[tilespmem:v36+s14+$0x0] =	vst.idx.msk $0xffff, v37  }
0xf9: {  	[tilespmem:v46+s14+$0x0] =	vst.idx.msk $0xffff, v45  }
0xfa: {  	v54 =	vmov s23;
	[tilespmem:v38+s14+$0x0] =	vst.idx.msk $0xffff, v41  }
0xfb: {  	[tilespmem:v48+s14+$0x0] =	vst.idx.msk $0xffff, v34;
	v34 =	vshrl.u32 v54, $0x3  }
0xfc: {  	[tilespmem:v53+s14+$0x0] =	vst.idx.msk $0xffff, v52;
	v34 =	vshll.u32 v34, v0  }
0xfd: {  	s0 =	simm.s32 $0x8;
	s28 =	simm.s32 $0x9;
	s2 =	simm.s32 $0xA;
	v33 =	vor.u32 v15, v33;
	[tilespmem:v51+s14+$0x0] =	vst.idx.msk $0xffff, v50;
	v34 =	vbroadcast v34, $0x0  }
0xfe: {  	s29 =	simm.s32 $0xB;
	s30 =	simm.s32 $0xC;
	v55 =	vmov s0;
	v56 =	vmov s28;
	v57 =	vmov s2;
	v38 =	vld [tilespmem:s24+$0xFFFFFFF0]  }
0xff: {  	s31 =	simm.s32 $0xD;
	v59 =	vmov s29;
	v60 =	vmov s30;
	v39 =	vld [tilespmem:s24+$0xFFFFFF20];
	v58 =	vor.u32 v10, v34  }
0x100: {  	v62 =	vmov s31;
	v35 =	vshrl.u32 v55, $0x3;
	v44 =	vld [tilespmem:s24+$0xFFFFFF30];
	v61 =	vor.u32 v11, v34  }
0x101: {  	v36 =	vshrl.u32 v56, $0x3;
	v37 =	vshrl.u32 v57, $0x3;
	v46 =	vld [tilespmem:s24+$0xFFFFFF40];
	v63 =	vor.u32 v12, v34  }
0x102: {  	v35 =	vshll.u32 v35, v0;
	v54 =	vshrl.u32 v62, $0x3;
	v48 =	vld [tilespmem:s24+$0xFFFFFF50];
	v57 =	vor.u32 v13, v34  }
0x103: {  	v50 =	vshrl.u32 v59, $0x3;
	v51 =	vshrl.u32 v60, $0x3;
	v52 =	vld [tilespmem:s24+$0xFFFFFF60];
	v53 =	vor.u32 v14, v34;
	[tilespmem:v33+s14+$0x0] =	vst.idx.msk $0xffff, v38  }
0x104: {  	v59 =	vshll.u32 v36, v0;
	v40 =	vld [tilespmem:s24+$0xFFFFFF70];
	v43 =	vor.u32 v15, v34;
	[tilespmem:v58+s14+$0x0] =	vst.idx.msk $0xffff, v39;
	v58 =	vbroadcast v35, $0x0  }
0x105: {  	v60 =	vshll.u32 v37, v0;
	v41 =	vor.u32 v16, v34;
	v38 =	vld [tilespmem:s24+$0xFFFFFF80];
	[tilespmem:v61+s14+$0x0] =	vst.idx.msk $0xffff, v44;
	v35 =	vbroadcast v59, $0x0  }
0x106: {  	v62 =	vshll.u32 v50, v0;
	[tilespmem:v63+s14+$0x0] =	vst.idx.msk $0xffff, v46;
	v39 =	vld [tilespmem:s24+$0xFFFFFF90];
	v61 =	vbroadcast v60, $0x0;
	v42 =	vor.u32 v9, v58  }
0x107: {  	v36 =	vld [tilespmem:s24+$0xFFFFFFA0];
	[tilespmem:v57+s14+$0x0] =	vst.idx.msk $0xffff, v48;
	v44 =	vbroadcast v62, $0x0;
	v63 =	vshll.u32 v51, v0;
	v37 =	vor.u32 v10, v35  }
0x108: {  	s25 =	simm.s32 $0x10;
	s26 =	simm.s32 $0x20;
	s0 =	simm.s32 $0x1E;
	v33 =	vld [tilespmem:s24+$0xFFFFFFB0];
	[tilespmem:v53+s14+$0x0] =	vst.idx.msk $0xffff, v52;
	v46 =	vshll.u32 v54, v0;
	v45 =	vbroadcast v63, $0x0;
	v35 =	vor.u32 v11, v61  }
.LBB2_5:
0x109: {  	p1 =	slt.u32 s26, $0x70;
	v47 =	vmov s0;
	[tilespmem:v43+s14+$0x0] =	vst.idx.msk $0xffff, v40;
	v40 =	vld [tilespmem:s24+$0xFFFFFFC0];
	v43 =	vor.u32 v12, v44;
	v44 =	vbroadcast v46, $0x0  }
0x10a: {  	v46 =	vmov s25;
	v47 =	vshrl.u32 v47, $0x3;
	[tilespmem:v41+s14+$0x0] =	vst.idx.msk $0xffff, v38;
	v38 =	vld [tilespmem:s24+$0xFFFFFFD0];
	v41 =	vor.u32 v13, v45  }
0x10b: {  	s0 =	sadd.s32 $0xF, s23;
	s23 =	smov.u32 s25;
	s25 =	smov.u32 s26;
	v45 =	vshrl.u32 v46, $0x3;
	v46 =	vshll.u32 v47, v0;
	[tilespmem:v42+s14+$0x0] =	vst.idx.msk $0xffff, v39;
	v39 =	vld [tilespmem:s24+$0xFFFFFFE0];
	v42 =	vor.u32 v14, v44  }
0x10c: {  	s2 =	sadd.s32 $0x8, s23;
	v44 =	vshll.u32 v45, v0;
	v45 =	vbroadcast v46, $0x0;
	[tilespmem:v37+s14+$0x0] =	vst.idx.msk $0xffff, v36;
	v36 =	vld [tilespmem:s24+$0x0];
	v37 =	vor.u32 s0, v16  }
0x10d: {  	v48 =	vor.u32 v9, v34;
	v46 =	vmov s2;
	s0 =	sadd.s32 $0x9, s23;
	s2 =	sadd.s32 $0xA, s23;
	v34 =	vbroadcast v44, $0x0;
	v47 =	vld [tilespmem:s24+$0xFFFFFF10];
	[tilespmem:v35+s14+$0x0] =	vst.idx.msk $0xffff, v33;
	s24 =	sadd.s32 $0x100, s24  }
0x10e: {  	v33 =	vmov s0;
	v35 =	vmov s2;
	s0 =	sadd.s32 $0xB, s23;
	s2 =	sadd.s32 $0xC, s23;
	v44 =	vld [tilespmem:s24+$0xFFFFFFF0];
	v45 =	vor.u32 v15, v45;
	[tilespmem:v43+s14+$0x0] =	vst.idx.msk $0xffff, v40  }
0x10f: {  	v43 =	vor.u32 v10, v34;
	v49 =	vmov s0;
	v50 =	vmov s2;
	s0 =	sadd.s32 $0xD, s23;
	v40 =	vld [tilespmem:s24+$0xFFFFFF20];
	[tilespmem:v41+s14+$0x0] =	vst.idx.msk $0xffff, v38  }
0x110: {  	v46 =	vshrl.u32 v46, $0x3;
	v41 =	vor.u32 v11, v34;
	v51 =	vmov s0;
	v38 =	vld [tilespmem:s24+$0xFFFFFF30];
	[tilespmem:v42+s14+$0x0] =	vst.idx.msk $0xffff, v39  }
0x111: {  	v33 =	vshrl.u32 v33, $0x3;
	v35 =	vshrl.u32 v35, $0x3;
	v42 =	vor.u32 v12, v34;
	v39 =	vld [tilespmem:s24+$0xFFFFFF40];
	[tilespmem:v37+s14+$0x0] =	vst.idx.msk $0xffff, v36  }
0x112: {  	v49 =	vshrl.u32 v49, $0x3;
	v50 =	vshrl.u32 v50, $0x3;
	v37 =	vor.u32 v13, v34;
	v36 =	vld [tilespmem:s24+$0xFFFFFF50];
	[tilespmem:v48+s14+$0x0] =	vst.idx.msk $0xffff, v47  }
0x113: {  	v46 =	vshll.u32 v46, v0;
	v51 =	vshrl.u32 v51, $0x3;
	v48 =	vor.u32 v14, v34;
	v47 =	vld [tilespmem:s24+$0xFFFFFF60];
	[tilespmem:v45+s14+$0x0] =	vst.idx.msk $0xffff, v44  }
.Ltmp3:
0x114: {  	v33 =	vshll.u32 v33, v0;
	v44 =	vbroadcast v46, $0x0;
	[tilespmem:v43+s14+$0x0] =	vst.idx.msk $0xffff, v40;
	v40 =	vld [tilespmem:s24+$0xFFFFFF70];
	v43 =	vor.u32 v15, v34;
	(pc) =	sbr.rel @p1 .LBB2_5-.Ltmp3, $4  }
0x115: {  	v35 =	vshll.u32 v35, v0;
	v33 =	vbroadcast v33, $0x0;
	[tilespmem:v41+s14+$0x0] =	vst.idx.msk $0xffff, v38;
	v38 =	vld [tilespmem:s24+$0xFFFFFF80];
	v41 =	vor.u32 v16, v34  }
0x116: {  	v35 =	vbroadcast v35, $0x0;
	[tilespmem:v42+s14+$0x0] =	vst.idx.msk $0xffff, v39;
	v39 =	vld [tilespmem:s24+$0xFFFFFF90];
	v42 =	vor.u32 v9, v44;
	v44 =	vshll.u32 v49, v0  }
0x117: {  	v45 =	vshll.u32 v50, v0;
	[tilespmem:v37+s14+$0x0] =	vst.idx.msk $0xffff, v36;
	v36 =	vld [tilespmem:s24+$0xFFFFFFA0];
	v37 =	vor.u32 v10, v33;
	v44 =	vbroadcast v44, $0x0  }
0x118: {  	s26 =	sadd.s32 $0x10, s26;
	s0 =	sadd.s32 $0xE, s25;
	v35 =	vor.u32 v11, v35;
	v46 =	vshll.u32 v51, v0;
	v45 =	vbroadcast v45, $0x0;
	[tilespmem:v48+s14+$0x0] =	vst.idx.msk $0xffff, v47;
	v33 =	vld [tilespmem:s24+$0xFFFFFFB0]  }
0x119: {  	_ =	sdelay $0x3  }
0x11a: {  	v47 =	vmov s0;
	[tilespmem:v43+s14+$0x0] =	vst.idx.msk $0xffff, v40;
	v40 =	vld [tilespmem:s24+$0xFFFFFFC0];
	v43 =	vor.u32 v12, v44;
	v58 =	vbroadcast v46, $0x0  }
0x11b: {  	v59 =	vmov s25;
	v55 =	vld [tilespmem:s24+$0xFFFFFF10];
	v34 =	vor.u32 v9, v34;
	v47 =	vshrl.u32 v47, $0x3;
	[tilespmem:v41+s14+$0x0] =	vst.idx.msk $0xffff, v38  }
0x11c: {  	v38 =	vld [tilespmem:s24+$0xFFFFFFD0];
	v41 =	vor.u32 v13, v45;
	v60 =	vshrl.u32 v59, $0x3;
	v61 =	vshll.u32 v47, v0;
	[tilespmem:v42+s14+$0x0] =	vst.idx.msk $0xffff, v39  }
0x11d: {  	v62 =	vld [tilespmem:s24+$0xFFFFFFE0];
	s23 =	sadd.s32 $0xF, s23;
	v63 =	vor.u32 v14, v58;
	v52 =	vshll.u32 v60, v0;
	v53 =	vbroadcast v61, $0x0;
	[tilespmem:v37+s14+$0x0] =	vst.idx.msk $0xffff, v36  }
0x11e: {  	s2 =	sadd.s32 $0x8, s25;
	v36 =	vld [tilespmem:s24+$0x0];
	v37 =	vor.u32 s23, v16;
	v44 =	vbroadcast v52, $0x0;
	s23 =	sadd.s32 $0x100, s24;
	[tilespmem:v35+s14+$0x0] =	vst.idx.msk $0xffff, v33  }
0x11f: {  	s26 =	sadd.s32 $0x9, s25;
	s31 =	sadd.s32 $0xA, s25;
	v54 =	vmov s2;
	v48 =	vld [tilespmem:s23+$0xFFFFFFF0];
	v45 =	vor.u32 v15, v53;
	[tilespmem:v43+s14+$0x0] =	vst.idx.msk $0xffff, v40  }
0x120: {  	s9 =	sadd.s32 $0xB, s25;
	v56 =	vmov s26;
	v57 =	vmov s31;
	v58 =	vld [tilespmem:s23+$0xFFFFFF20];
	v59 =	vor.u32 v10, v44;
	[tilespmem:v34+s14+$0x0] =	vst.idx.msk $0xffff, v55  }
0x121: {  	v49 =	vmov s9;
	s26 =	sadd.s32 $0xD, s25;
	v46 =	vshrl.u32 v54, $0x3;
	v60 =	vld [tilespmem:s23+$0xFFFFFF30];
	v61 =	vor.u32 v11, v44;
	[tilespmem:v41+s14+$0x0] =	vst.idx.msk $0xffff, v38  }
0x122: {  	v51 =	vmov s26;
	v35 =	vshrl.u32 v57, $0x3;
	v54 =	vld [tilespmem:s23+$0xFFFFFF60];
	v55 =	vor.u32 v14, v44;
	[tilespmem:v63+s14+$0x0] =	vst.idx.msk $0xffff, v62  }
0x123: {  	v33 =	vshrl.u32 v56, $0x3;
	v56 =	vld [tilespmem:s23+$0xFFFFFF70];
	v57 =	vor.u32 v15, v44;
	v35 =	vshll.u32 v35, v0;
	[tilespmem:v37+s14+$0x0] =	vst.idx.msk $0xffff, v36  }
0x124: {  	s24 =	sadd.s32 $0xC, s25;
	v46 =	vshll.u32 v46, v0;
	v35 =	vbroadcast v35, $0x0;
	v62 =	vld [tilespmem:s23+$0xFFFFFF40];
	v63 =	vor.u32 v12, v44;
	[tilespmem:v45+s14+$0x0] =	vst.idx.msk $0xffff, v48  }
0x125: {  	v50 =	vmov s24;
	v33 =	vshll.u32 v33, v0;
	v36 =	vld [tilespmem:s23+$0xFFFFFF50];
	v37 =	vor.u32 v13, v44;
	[tilespmem:v59+s14+$0x0] =	vst.idx.msk $0xffff, v58  }
0x126: {  	v50 =	vshrl.u32 v50, $0x3;
	v53 =	vld [tilespmem:s23+$0xFFFFFFB0];
	v33 =	vbroadcast v33, $0x0;
	v35 =	vor.u32 v11, v35;
	[tilespmem:v61+s14+$0x0] =	vst.idx.msk $0xffff, v60  }
0x127: {  	v52 =	vshll.u32 v50, v0;
	v58 =	vbroadcast v46, $0x0;
	v59 =	vld [tilespmem:s23+$0xFFFFFF80];
	v60 =	vor.u32 v16, v44;
	[tilespmem:v55+s14+$0x0] =	vst.idx.msk $0xffff, v54  }
0x128: {  	v49 =	vshrl.u32 v49, $0x3;
	v33 =	vor.u32 v10, v33;
	v48 =	vld [tilespmem:s23+$0xFFFFFFA0];
	v45 =	vbroadcast v52, $0x0;
	[tilespmem:v57+s14+$0x0] =	vst.idx.msk $0xffff, v56  }
0x129: {  	v51 =	vshrl.u32 v51, $0x3;
	v61 =	vld [tilespmem:s23+$0xFFFFFF90];
	[tilespmem:v63+s14+$0x0] =	vst.idx.msk $0xffff, v62;
	v62 =	vor.u32 v9, v58;
	v63 =	vshll.u32 v49, v0  }
0x12a: {  	v54 =	vshll.u32 v51, v0;
	v57 =	vld [tilespmem:s23+$0xFFFFFFD0];
	v58 =	vor.u32 v13, v45;
	[tilespmem:v37+s14+$0x0] =	vst.idx.msk $0xffff, v36;
	v49 =	vbroadcast v63, $0x0  }
0x12b: {  	v44 =	vor.u32 v9, v44;
	v56 =	vbroadcast v54, $0x0;
	v63 =	vld [tilespmem:s23+$0xFFFFFF10];
	[tilespmem:v35+s14+$0x0] =	vst.idx.msk $0xffff, v53  }
0x12c: {  	v55 =	vld [tilespmem:s23+$0xFFFFFFC0];
	v37 =	vor.u32 v12, v49;
	[tilespmem:v60+s14+$0x0] =	vst.idx.msk $0xffff, v59  }
0x12d: {  	s31 =	sadd.s32 $0xF, s25;
	v59 =	vld [tilespmem:s23+$0xFFFFFFE0];
	v60 =	vor.u32 v14, v56;
	[tilespmem:v33+s14+$0x0] =	vst.idx.msk $0xffff, v48  }
0x12e: {  	p2 =	por $0x1, $0x1;
	[tilespmem:v62+s14+$0x0] =	vst.idx.msk $0xffff, v61;
	v61 =	vld [tilespmem:s23+$0x0];
	v62 =	vor.u32 s31, v16  }
.Ltmp4:
0x12f: {  	[tilespmem:v58+s14+$0x0] =	vst.idx.msk $0xffff, v57;
	(pc) =	sbr.rel @!p2 .LBB2_10-.Ltmp4, $4  }
0x130: {  	[tilespmem:v44+s14+$0x0] =	vst.idx.msk $0xffff, v63  }
0x131: {  	p1 =	por $0x0, $0x0;
	s0 =	simm.s32 $0xE;
	s29 =	simm.s32 $0x74F0;
	[tilespmem:v37+s14+$0x0] =	vst.idx.msk $0xffff, v55  }
0x132: {  	s28 =	simm.s32 $0x0;
	p3 =	por $0x0, $0x0;
	s26 =	simm.s32 $0x74F0;
	[tilespmem:v60+s14+$0x0] =	vst.idx.msk $0xffff, v59  }
0x133: {  	s25 =	simm.s32 $0xE;
	s24 =	simm.s32 $0x0;
	s23 =	simm.s32 $0x10;
	[tilespmem:v62+s14+$0x0] =	vst.idx.msk $0xffff, v61  }
0x134: {  	v33 =	vmov s25  }
0x135: {  	v34 =	vmov s24;
	v33 =	vshrl.u32 v33, $0x3  }
0x136: {  	v34 =	vshrl.u32 v34, $0x3;
	v33 =	vshll.u32 v33, v0  }
0x137: {  	s0 =	simm.s32 $0x8;
	v34 =	vshll.u32 v34, v0;
	v35 =	vbroadcast v33, $0x0  }
0x138: {  	s9 =	simm.s32 $0x9;
	s2 =	simm.s32 $0xA;
	v57 =	vmov s0;
	v33 =	vbroadcast v34, $0x0  }
0x139: {  	v38 =	vld [tilespmem:s26+$0xFFFFFFF0];
	v36 =	vmov s9;
	v37 =	vmov s2;
	s2 =	simm.s32 $0xB;
	s9 =	simm.s32 $0xC;
	v35 =	vor.u32 v23, v35  }
0x13a: {  	v39 =	vld [tilespmem:s26+$0xFFFFFF20];
	v41 =	vmov s2;
	v42 =	vmov s9;
	v40 =	vor.u32 v18, v33  }
0x13b: {  	v43 =	vld [tilespmem:s26+$0xFFFFFF30];
	s9 =	simm.s32 $0xD;
	v36 =	vshrl.u32 v36, $0x3;
	v37 =	vshrl.u32 v37, $0x3;
	v44 =	vor.u32 v19, v33  }
0x13c: {  	v46 =	vld [tilespmem:s26+$0xFFFFFF40];
	v34 =	vshrl.u32 v57, $0x3;
	v45 =	vmov s9;
	v47 =	vor.u32 v20, v33  }
0x13d: {  	v48 =	vld [tilespmem:s26+$0xFFFFFF50];
	v50 =	vshrl.u32 v41, $0x3;
	v60 =	vshll.u32 v36, v0;
	v49 =	vor.u32 v21, v33  }
0x13e: {  	v52 =	vld [tilespmem:s26+$0xFFFFFF60];
	p4 =	por $0x1, $0x1;
	v51 =	vshrl.u32 v42, $0x3;
	v58 =	vshll.u32 v34, v0;
	v53 =	vor.u32 v22, v33;
	[tilespmem:v35+s14+$0x0] =	vst.idx.msk $0xffff, v38  }
.Ltmp5:
0x13f: {  	v37 =	vshll.u32 v37, v0;
	v34 =	vld [tilespmem:s26+$0xFFFFFF70];
	v59 =	vbroadcast v58, $0x0;
	[tilespmem:v40+s14+$0x0] =	vst.idx.msk $0xffff, v39;
	v35 =	vor.u32 v23, v33;
	(pc) =	sbr.rel @!p4 .LBB2_8-.Ltmp5, $4  }
0x140: {  	v36 =	vld [tilespmem:s26+$0xFFFFFF80];
	v54 =	vshrl.u32 v45, $0x3;
	[tilespmem:v44+s14+$0x0] =	vst.idx.msk $0xffff, v43;
	v39 =	vor.u32 v24, v33;
	v40 =	vbroadcast v60, $0x0  }
0x141: {  	v41 =	vld [tilespmem:s26+$0xFFFFFF90];
	v61 =	vbroadcast v37, $0x0;
	v62 =	vshll.u32 v50, v0;
	[tilespmem:v47+s14+$0x0] =	vst.idx.msk $0xffff, v46;
	v43 =	vor.u32 v17, v59  }
0x142: {  	s31 =	simm.s32 $0x20;
	p3 =	por $0x1, $0x1;
	s29 =	simm.s32 $0x74F0;
	v63 =	vshll.u32 v51, v0;
	[tilespmem:v49+s14+$0x0] =	vst.idx.msk $0xffff, v48;
	v38 =	vld [tilespmem:s26+$0xFFFFFFA0];
	v44 =	vbroadcast v62, $0x0;
	v42 =	vor.u32 v18, v40  }
0x143: {  	s28 =	simm.s32 $0x10;
	s30 =	simm.s32 $0x0;
	s0 =	simm.s32 $0x1E;
	v37 =	vld [tilespmem:s26+$0xFFFFFFB0];
	v45 =	vbroadcast v63, $0x0;
	[tilespmem:v53+s14+$0x0] =	vst.idx.msk $0xffff, v52;
	v46 =	vshll.u32 v54, v0;
	v40 =	vor.u32 v19, v61  }
.LBB2_9:
0x144: {  	p4 =	slt.u32 s31, $0x70;
	v47 =	vmov s0;
	[tilespmem:v35+s14+$0x0] =	vst.idx.msk $0xffff, v34;
	v34 =	vld [tilespmem:s29+$0xFFFFFFC0];
	v35 =	vor.u32 v20, v44;
	v44 =	vbroadcast v46, $0x0  }
0x145: {  	v46 =	vmov s28;
	v47 =	vshrl.u32 v47, $0x3;
	[tilespmem:v39+s14+$0x0] =	vst.idx.msk $0xffff, v36;
	v36 =	vld [tilespmem:s29+$0xFFFFFFD0];
	v39 =	vor.u32 v21, v45  }
0x146: {  	s0 =	sadd.s32 $0xF, s30;
	s30 =	smov.u32 s28;
	s28 =	smov.u32 s31;
	v45 =	vshrl.u32 v46, $0x3;
	v46 =	vshll.u32 v47, v0;
	[tilespmem:v43+s14+$0x0] =	vst.idx.msk $0xffff, v41;
	v41 =	vld [tilespmem:s29+$0xFFFFFFE0];
	v43 =	vor.u32 v22, v44  }
0x147: {  	s2 =	sadd.s32 $0x8, s30;
	v44 =	vshll.u32 v45, v0;
	v45 =	vbroadcast v46, $0x0;
	[tilespmem:v42+s14+$0x0] =	vst.idx.msk $0xffff, v38;
	v38 =	vld [tilespmem:s29+$0x0];
	v42 =	vor.u32 s0, v24  }
0x148: {  	v48 =	vor.u32 v17, v33;
	v46 =	vmov s2;
	s0 =	sadd.s32 $0x9, s30;
	s2 =	sadd.s32 $0xA, s30;
	v33 =	vbroadcast v44, $0x0;
	v47 =	vld [tilespmem:s29+$0xFFFFFF10];
	[tilespmem:v40+s14+$0x0] =	vst.idx.msk $0xffff, v37;
	s29 =	sadd.s32 $0x100, s29  }
0x149: {  	v37 =	vmov s0;
	v40 =	vmov s2;
	s0 =	sadd.s32 $0xB, s30;
	s2 =	sadd.s32 $0xC, s30;
	v44 =	vld [tilespmem:s29+$0xFFFFFFF0];
	v45 =	vor.u32 v23, v45;
	[tilespmem:v35+s14+$0x0] =	vst.idx.msk $0xffff, v34  }
0x14a: {  	v35 =	vor.u32 v18, v33;
	v49 =	vmov s0;
	v50 =	vmov s2;
	s0 =	sadd.s32 $0xD, s30;
	v34 =	vld [tilespmem:s29+$0xFFFFFF20];
	[tilespmem:v39+s14+$0x0] =	vst.idx.msk $0xffff, v36  }
0x14b: {  	v46 =	vshrl.u32 v46, $0x3;
	v39 =	vor.u32 v19, v33;
	v51 =	vmov s0;
	v36 =	vld [tilespmem:s29+$0xFFFFFF30];
	[tilespmem:v43+s14+$0x0] =	vst.idx.msk $0xffff, v41  }
0x14c: {  	v37 =	vshrl.u32 v37, $0x3;
	v40 =	vshrl.u32 v40, $0x3;
	v43 =	vor.u32 v20, v33;
	v41 =	vld [tilespmem:s29+$0xFFFFFF40];
	[tilespmem:v42+s14+$0x0] =	vst.idx.msk $0xffff, v38  }
0x14d: {  	v49 =	vshrl.u32 v49, $0x3;
	v50 =	vshrl.u32 v50, $0x3;
	v42 =	vor.u32 v21, v33;
	v38 =	vld [tilespmem:s29+$0xFFFFFF50];
	[tilespmem:v48+s14+$0x0] =	vst.idx.msk $0xffff, v47  }
0x14e: {  	v46 =	vshll.u32 v46, v0;
	v51 =	vshrl.u32 v51, $0x3;
	v48 =	vor.u32 v22, v33;
	v47 =	vld [tilespmem:s29+$0xFFFFFF60];
	[tilespmem:v45+s14+$0x0] =	vst.idx.msk $0xffff, v44  }
.Ltmp6:
0x14f: {  	v37 =	vshll.u32 v37, v0;
	v44 =	vbroadcast v46, $0x0;
	[tilespmem:v35+s14+$0x0] =	vst.idx.msk $0xffff, v34;
	v34 =	vld [tilespmem:s29+$0xFFFFFF70];
	v35 =	vor.u32 v23, v33;
	(pc) =	sbr.rel @p4 .LBB2_9-.Ltmp6, $4  }
0x150: {  	v40 =	vshll.u32 v40, v0;
	v37 =	vbroadcast v37, $0x0;
	[tilespmem:v39+s14+$0x0] =	vst.idx.msk $0xffff, v36;
	v36 =	vld [tilespmem:s29+$0xFFFFFF80];
	v39 =	vor.u32 v24, v33  }
0x151: {  	v40 =	vbroadcast v40, $0x0;
	[tilespmem:v43+s14+$0x0] =	vst.idx.msk $0xffff, v41;
	v41 =	vld [tilespmem:s29+$0xFFFFFF90];
	v43 =	vor.u32 v17, v44;
	v44 =	vshll.u32 v49, v0  }
0x152: {  	v45 =	vshll.u32 v50, v0;
	[tilespmem:v42+s14+$0x0] =	vst.idx.msk $0xffff, v38;
	v38 =	vld [tilespmem:s29+$0xFFFFFFA0];
	v42 =	vor.u32 v18, v37;
	v44 =	vbroadcast v44, $0x0  }
0x153: {  	s31 =	sadd.s32 $0x10, s31;
	s0 =	sadd.s32 $0xE, s28;
	v40 =	vor.u32 v19, v40;
	v46 =	vshll.u32 v51, v0;
	v45 =	vbroadcast v45, $0x0;
	[tilespmem:v48+s14+$0x0] =	vst.idx.msk $0xffff, v47;
	v37 =	vld [tilespmem:s29+$0xFFFFFFB0]  }
.LBB2_10:
0x154: {  	_ =	sdelay $0x2  }
0x155: {  	v47 =	vmov s0  }
0x156: {  	[tilespmem:v35+s14+$0x0] =	vst.idx.msk @p3 $0xffff, v34;
	v34 =	vld @p3 [tilespmem:s29+$0xFFFFFFC0];
	v35 =	vor.u32 @p3 v20, v44;
	v44 =	vbroadcast @p3 v46, $0x0;
	v50 =	vmov s28  }
0x157: {  	v33 =	vor.u32 @p3 v17, v33;
	v47 =	vshrl.u32 v47, $0x3;
	[tilespmem:v39+s14+$0x0] =	vst.idx.msk @p3 $0xffff, v36;
	v36 =	vld @p3 [tilespmem:s29+$0xFFFFFFD0];
	v39 =	vor.u32 @p3 v21, v45  }
0x158: {  	s0 =	sadd.s32 @p3 $0xF, s30;
	v51 =	vshrl.u32 v50, $0x3;
	v52 =	vshll.u32 v47, v0;
	[tilespmem:v43+s14+$0x0] =	vst.idx.msk @p3 $0xffff, v41;
	v41 =	vld @p3 [tilespmem:s29+$0xFFFFFFE0];
	v43 =	vor.u32 @p3 v22, v44  }
0x159: {  	v53 =	vshll.u32 v51, v0;
	v47 =	vld @p3 [tilespmem:s29+$0xFFFFFF10];
	v54 =	vbroadcast v52, $0x0;
	[tilespmem:v42+s14+$0x0] =	vst.idx.msk @p3 $0xffff, v38;
	v42 =	vor.u32 @p3 s0, v24;
	s0 =	sadd.s32 @p3 $0x100, s29  }
0x15a: {  	s2 =	sadd.s32 $0x8, s28;
	v38 =	vld @p3 [tilespmem:s29+$0x0];
	v44 =	vbroadcast v53, $0x0;
	[tilespmem:v40+s14+$0x0] =	vst.idx.msk @p3 $0xffff, v37;
	s26 =	smov.u32 @p3 s0  }
0x15b: {  	s31 =	sadd.s32 $0x9, s28;
	s9 =	sadd.s32 $0xA, s28;
	v55 =	vmov s2;
	v48 =	vld [tilespmem:s26+$0xFFFFFFF0];
	v45 =	vor.u32 v23, v54;
	[tilespmem:v35+s14+$0x0] =	vst.idx.msk @p3 $0xffff, v34  }
0x15c: {  	v56 =	vmov s31;
	v57 =	vmov s9;
	s9 =	sadd.s32 $0xB, s28;
	v58 =	vld [tilespmem:s26+$0xFFFFFF20];
	v59 =	vor.u32 v18, v44;
	[tilespmem:v39+s14+$0x0] =	vst.idx.msk @p3 $0xffff, v36  }
0x15d: {  	v49 =	vmov s9;
	v46 =	vshrl.u32 v55, $0x3;
	v60 =	vld [tilespmem:s26+$0xFFFFFF30];
	v61 =	vor.u32 v19, v44;
	[tilespmem:v43+s14+$0x0] =	vst.idx.msk @p3 $0xffff, v41  }
0x15e: {  	s30 =	sadd.s32 $0xD, s28;
	v46 =	vshll.u32 v46, v0;
	v40 =	vshrl.u32 v57, $0x3;
	v62 =	vld [tilespmem:s26+$0xFFFFFF40];
	v63 =	vor.u32 v20, v44;
	[tilespmem:v33+s14+$0x0] =	vst.idx.msk @p3 $0xffff, v47  }
0x15f: {  	v51 =	vmov s30;
	v54 =	vld [tilespmem:s26+$0xFFFFFF60];
	v55 =	vor.u32 v22, v44;
	v40 =	vshll.u32 v40, v0;
	[tilespmem:v42+s14+$0x0] =	vst.idx.msk @p3 $0xffff, v38  }
0x160: {  	v37 =	vshrl.u32 v56, $0x3;
	v56 =	vld [tilespmem:s26+$0xFFFFFF70];
	v57 =	vor.u32 v23, v44;
	v40 =	vbroadcast v40, $0x0;
	[tilespmem:v45+s14+$0x0] =	vst.idx.msk $0xffff, v48  }
0x161: {  	v49 =	vshrl.u32 v49, $0x3;
	v37 =	vshll.u32 v37, v0;
	v38 =	vld [tilespmem:s26+$0xFFFFFF50];
	v42 =	vor.u32 v21, v44;
	[tilespmem:v59+s14+$0x0] =	vst.idx.msk $0xffff, v58  }
0x162: {  	s29 =	sadd.s32 $0xC, s28;
	v51 =	vshrl.u32 v51, $0x3;
	v53 =	vld [tilespmem:s26+$0xFFFFFFB0];
	v37 =	vbroadcast v37, $0x0;
	v40 =	vor.u32 v19, v40;
	[tilespmem:v61+s14+$0x0] =	vst.idx.msk $0xffff, v60  }
0x163: {  	v50 =	vmov s29;
	v58 =	vbroadcast v46, $0x0;
	v59 =	vld [tilespmem:s26+$0xFFFFFF80];
	v60 =	vor.u32 v24, v44;
	[tilespmem:v63+s14+$0x0] =	vst.idx.msk $0xffff, v62  }
0x164: {  	v50 =	vshrl.u32 v50, $0x3;
	v37 =	vor.u32 v18, v37;
	v63 =	vshll.u32 v49, v0;
	v48 =	vld [tilespmem:s26+$0xFFFFFFA0];
	[tilespmem:v55+s14+$0x0] =	vst.idx.msk $0xffff, v54  }
0x165: {  	v52 =	vshll.u32 v50, v0;
	v61 =	vld [tilespmem:s26+$0xFFFFFF90];
	[tilespmem:v57+s14+$0x0] =	vst.idx.msk $0xffff, v56;
	v49 =	vbroadcast v63, $0x0;
	v62 =	vor.u32 v17, v58  }
0x166: {  	v45 =	vbroadcast v52, $0x0;
	v54 =	vshll.u32 v51, v0;
	v44 =	vor.u32 v17, v44;
	v63 =	vld [tilespmem:s26+$0xFFFFFF10];
	[tilespmem:v42+s14+$0x0] =	vst.idx.msk $0xffff, v38  }
0x167: {  	v55 =	vld [tilespmem:s26+$0xFFFFFFC0];
	v57 =	vbroadcast v54, $0x0;
	v56 =	vor.u32 v20, v49;
	[tilespmem:v40+s14+$0x0] =	vst.idx.msk $0xffff, v53  }
0x168: {  	v58 =	vld [tilespmem:s26+$0xFFFFFFD0];
	[tilespmem:v60+s14+$0x0] =	vst.idx.msk $0xffff, v59;
	v59 =	vor.u32 v21, v45  }
0x169: {  	s31 =	sadd.s32 $0xF, s28;
	v42 =	vor.u32 v22, v57;
	v60 =	vld [tilespmem:s26+$0xFFFFFFE0];
	[tilespmem:v37+s14+$0x0] =	vst.idx.msk $0xffff, v48  }
0x16a: {  	[tilespmem:v62+s14+$0x0] =	vst.idx.msk $0xffff, v61;
	v61 =	vld [tilespmem:s26+$0x0];
	v62 =	vor.u32 s31, v24  }
.Ltmp7:
0x16b: {  	[tilespmem:v44+s14+$0x0] =	vst.idx.msk $0xffff, v63;
	(pc) =	sbr.rel @!p2 .LBB2_11-.Ltmp7, $4  }
0x16c: {  	[tilespmem:v56+s14+$0x0] =	vst.idx.msk $0xffff, v55  }
0x16d: {  	[tilespmem:v59+s14+$0x0] =	vst.idx.msk $0xffff, v58  }
0x16e: {  	[tilespmem:v42+s14+$0x0] =	vst.idx.msk $0xffff, v60  }
0x16f: {  	s26 =	simm.s32 $0x7CF0;
	[tilespmem:v62+s14+$0x0] =	vst.idx.msk $0xffff, v61  }
0x170: {  	v33 =	vmov s25  }
0x171: {  	v34 =	vmov s24;
	v33 =	vshrl.u32 v33, $0x3  }
0x172: {  	v34 =	vshrl.u32 v34, $0x3;
	v33 =	vshll.u32 v33, v0  }
0x173: {  	s0 =	simm.s32 $0x8;
	v34 =	vshll.u32 v34, v0;
	v35 =	vbroadcast v33, $0x0  }
0x174: {  	s9 =	simm.s32 $0x9;
	s2 =	simm.s32 $0xA;
	v58 =	vmov s0;
	v33 =	vbroadcast v34, $0x0  }
0x175: {  	s25 =	simm.s32 $0xB;
	s30 =	simm.s32 $0xC;
	v38 =	vld [tilespmem:s26+$0xFFFFFFF0];
	v36 =	vmov s9;
	v37 =	vmov s2;
	v35 =	vor.u32 v31, v35  }
0x176: {  	v39 =	vld [tilespmem:s26+$0xFFFFFF20];
	s31 =	simm.s32 $0xD;
	v41 =	vmov s25;
	v42 =	vmov s30;
	v40 =	vor.u32 v26, v33  }
0x177: {  	v43 =	vld [tilespmem:s26+$0xFFFFFF30];
	v45 =	vmov s31;
	v36 =	vshrl.u32 v36, $0x3;
	v44 =	vor.u32 v27, v33  }
0x178: {  	v46 =	vld [tilespmem:s26+$0xFFFFFF40];
	v48 =	vshrl.u32 v37, $0x3;
	v51 =	vshrl.u32 v41, $0x3;
	v47 =	vor.u32 v28, v33  }
0x179: {  	v49 =	vld [tilespmem:s26+$0xFFFFFF50];
	v52 =	vshrl.u32 v42, $0x3;
	v34 =	vshrl.u32 v58, $0x3;
	v50 =	vor.u32 v29, v33  }
0x17a: {  	v53 =	vld [tilespmem:s26+$0xFFFFFF60];
	p2 =	por $0x1, $0x1;
	v55 =	vshrl.u32 v45, $0x3;
	v59 =	vshll.u32 v34, v0;
	v54 =	vor.u32 v30, v33;
	[tilespmem:v35+s14+$0x0] =	vst.idx.msk $0xffff, v38  }
.Ltmp8:
0x17b: {  	v36 =	vshll.u32 v36, v0;
	v34 =	vld [tilespmem:s26+$0xFFFFFF70];
	v60 =	vbroadcast v59, $0x0;
	[tilespmem:v40+s14+$0x0] =	vst.idx.msk $0xffff, v39;
	v35 =	vor.u32 v31, v33;
	(pc) =	sbr.rel @!p2 .LBB2_13-.Ltmp8, $4  }
0x17c: {  	v37 =	vld [tilespmem:s26+$0xFFFFFF80];
	v61 =	vshll.u32 v48, v0;
	v36 =	vbroadcast v36, $0x0;
	[tilespmem:v44+s14+$0x0] =	vst.idx.msk $0xffff, v43;
	v40 =	vor.u32 v32, v33  }
0x17d: {  	v41 =	vld [tilespmem:s26+$0xFFFFFF90];
	v62 =	vshll.u32 v51, v0;
	[tilespmem:v47+s14+$0x0] =	vst.idx.msk $0xffff, v46;
	v43 =	vor.u32 v25, v60;
	v39 =	vbroadcast v61, $0x0  }
0x17e: {  	s29 =	simm.s32 $0x20;
	v63 =	vshll.u32 v52, v0;
	v42 =	vor.u32 v26, v36;
	[tilespmem:v50+s14+$0x0] =	vst.idx.msk $0xffff, v49;
	v38 =	vld [tilespmem:s26+$0xFFFFFFA0];
	v44 =	vbroadcast v62, $0x0  }
0x17f: {  	p1 =	por $0x1, $0x1;
	s28 =	simm.s32 $0x7CF0;
	s25 =	simm.s32 $0x1E;
	v45 =	vbroadcast v63, $0x0;
	v36 =	vld [tilespmem:s26+$0xFFFFFFB0];
	[tilespmem:v54+s14+$0x0] =	vst.idx.msk $0xffff, v53;
	v46 =	vshll.u32 v55, v0;
	v39 =	vor.u32 v27, v39  }
.LBB2_14:
0x180: {  	p2 =	slt.u32 s29, $0x70;
	v47 =	vmov s25;
	[tilespmem:v35+s14+$0x0] =	vst.idx.msk $0xffff, v34;
	v34 =	vld [tilespmem:s28+$0xFFFFFFC0];
	v35 =	vor.u32 v28, v44;
	v44 =	vbroadcast v46, $0x0  }
0x181: {  	v46 =	vmov s23;
	v47 =	vshrl.u32 v47, $0x3;
	[tilespmem:v40+s14+$0x0] =	vst.idx.msk $0xffff, v37;
	v37 =	vld [tilespmem:s28+$0xFFFFFFD0];
	v40 =	vor.u32 v29, v45  }
0x182: {  	s0 =	sadd.s32 $0xF, s24;
	s24 =	smov.u32 s23;
	s23 =	smov.u32 s29;
	v45 =	vshrl.u32 v46, $0x3;
	v46 =	vshll.u32 v47, v0;
	[tilespmem:v43+s14+$0x0] =	vst.idx.msk $0xffff, v41;
	v41 =	vld [tilespmem:s28+$0xFFFFFFE0];
	v43 =	vor.u32 v30, v44  }
0x183: {  	s2 =	sadd.s32 $0x8, s24;
	v44 =	vshll.u32 v45, v0;
	v45 =	vbroadcast v46, $0x0;
	[tilespmem:v42+s14+$0x0] =	vst.idx.msk $0xffff, v38;
	v38 =	vld [tilespmem:s28+$0x0];
	v42 =	vor.u32 s0, v32  }
0x184: {  	v48 =	vor.u32 v25, v33;
	v46 =	vmov s2;
	s0 =	sadd.s32 $0x9, s24;
	s2 =	sadd.s32 $0xA, s24;
	v33 =	vbroadcast v44, $0x0;
	v47 =	vld [tilespmem:s28+$0xFFFFFF10];
	[tilespmem:v39+s14+$0x0] =	vst.idx.msk $0xffff, v36;
	s28 =	sadd.s32 $0x100, s28  }
0x185: {  	v36 =	vmov s0;
	v39 =	vmov s2;
	s0 =	sadd.s32 $0xB, s24;
	s2 =	sadd.s32 $0xC, s24;
	v44 =	vld [tilespmem:s28+$0xFFFFFFF0];
	v45 =	vor.u32 v31, v45;
	[tilespmem:v35+s14+$0x0] =	vst.idx.msk $0xffff, v34  }
0x186: {  	v35 =	vor.u32 v26, v33;
	v49 =	vmov s0;
	v50 =	vmov s2;
	s0 =	sadd.s32 $0xD, s24;
	v34 =	vld [tilespmem:s28+$0xFFFFFF20];
	[tilespmem:v40+s14+$0x0] =	vst.idx.msk $0xffff, v37  }
0x187: {  	v46 =	vshrl.u32 v46, $0x3;
	v40 =	vor.u32 v27, v33;
	v51 =	vmov s0;
	v37 =	vld [tilespmem:s28+$0xFFFFFF30];
	[tilespmem:v43+s14+$0x0] =	vst.idx.msk $0xffff, v41  }
0x188: {  	v36 =	vshrl.u32 v36, $0x3;
	v39 =	vshrl.u32 v39, $0x3;
	v43 =	vor.u32 v28, v33;
	v41 =	vld [tilespmem:s28+$0xFFFFFF40];
	[tilespmem:v42+s14+$0x0] =	vst.idx.msk $0xffff, v38  }
0x189: {  	v49 =	vshrl.u32 v49, $0x3;
	v50 =	vshrl.u32 v50, $0x3;
	v42 =	vor.u32 v29, v33;
	v38 =	vld [tilespmem:s28+$0xFFFFFF50];
	[tilespmem:v48+s14+$0x0] =	vst.idx.msk $0xffff, v47  }
0x18a: {  	v46 =	vshll.u32 v46, v0;
	v51 =	vshrl.u32 v51, $0x3;
	v48 =	vor.u32 v30, v33;
	v47 =	vld [tilespmem:s28+$0xFFFFFF60];
	[tilespmem:v45+s14+$0x0] =	vst.idx.msk $0xffff, v44  }
.Ltmp9:
0x18b: {  	v36 =	vshll.u32 v36, v0;
	v44 =	vbroadcast v46, $0x0;
	[tilespmem:v35+s14+$0x0] =	vst.idx.msk $0xffff, v34;
	v34 =	vld [tilespmem:s28+$0xFFFFFF70];
	v35 =	vor.u32 v31, v33;
	(pc) =	sbr.rel @p2 .LBB2_14-.Ltmp9, $4  }
0x18c: {  	v39 =	vshll.u32 v39, v0;
	v36 =	vbroadcast v36, $0x0;
	[tilespmem:v40+s14+$0x0] =	vst.idx.msk $0xffff, v37;
	v37 =	vld [tilespmem:s28+$0xFFFFFF80];
	v40 =	vor.u32 v32, v33  }
0x18d: {  	v39 =	vbroadcast v39, $0x0;
	[tilespmem:v43+s14+$0x0] =	vst.idx.msk $0xffff, v41;
	v41 =	vld [tilespmem:s28+$0xFFFFFF90];
	v43 =	vor.u32 v25, v44;
	v44 =	vshll.u32 v49, v0  }
0x18e: {  	v45 =	vshll.u32 v50, v0;
	[tilespmem:v42+s14+$0x0] =	vst.idx.msk $0xffff, v38;
	v38 =	vld [tilespmem:s28+$0xFFFFFFA0];
	v42 =	vor.u32 v26, v36;
	v44 =	vbroadcast v44, $0x0  }
0x18f: {  	s29 =	sadd.s32 $0x10, s29;
	s25 =	sadd.s32 $0xE, s23;
	v39 =	vor.u32 v27, v39;
	v46 =	vshll.u32 v51, v0;
	v45 =	vbroadcast v45, $0x0;
	[tilespmem:v48+s14+$0x0] =	vst.idx.msk $0xffff, v47;
	v36 =	vld [tilespmem:s28+$0xFFFFFFB0]  }
.LBB2_15:
0x190: {  	_ =	sdelay $0x2  }
0x191: {  	v47 =	vmov s25  }
0x192: {  	[tilespmem:v35+s14+$0x0] =	vst.idx.msk @p1 $0xffff, v34;
	v34 =	vld @p1 [tilespmem:s28+$0xFFFFFFC0];
	v35 =	vor.u32 @p1 v28, v44;
	v44 =	vbroadcast @p1 v46, $0x0;
	v48 =	vmov s23  }
0x193: {  	v33 =	vor.u32 @p1 v25, v33;
	v47 =	vshrl.u32 v47, $0x3;
	[tilespmem:v40+s14+$0x0] =	vst.idx.msk @p1 $0xffff, v37;
	v37 =	vld @p1 [tilespmem:s28+$0xFFFFFFD0];
	v40 =	vor.u32 @p1 v29, v45  }
0x194: {  	s0 =	sadd.s32 @p1 $0xF, s24;
	v49 =	vshrl.u32 v48, $0x3;
	v50 =	vshll.u32 v47, v0;
	[tilespmem:v43+s14+$0x0] =	vst.idx.msk @p1 $0xffff, v41;
	v41 =	vld @p1 [tilespmem:s28+$0xFFFFFFE0];
	v43 =	vor.u32 @p1 v30, v44  }
0x195: {  	s2 =	sadd.s32 $0x8, s23;
	v51 =	vshll.u32 v49, v0;
	v47 =	vld @p1 [tilespmem:s28+$0xFFFFFF10];
	v52 =	vbroadcast v50, $0x0;
	[tilespmem:v42+s14+$0x0] =	vst.idx.msk @p1 $0xffff, v38;
	v42 =	vor.u32 @p1 s0, v32;
	s0 =	sadd.s32 @p1 $0x100, s28  }
0x196: {  	s25 =	sadd.s32 $0x9, s23;
	s9 =	sadd.s32 $0xA, s23;
	v53 =	vmov s2;
	v38 =	vld @p1 [tilespmem:s28+$0x0];
	v44 =	vbroadcast v51, $0x0;
	[tilespmem:v39+s14+$0x0] =	vst.idx.msk @p1 $0xffff, v36;
	s26 =	smov.u32 @p1 s0  }
0x197: {  	s29 =	sadd.s32 $0xB, s23;
	v54 =	vmov s25;
	v55 =	vmov s9;
	v48 =	vld [tilespmem:s26+$0xFFFFFFF0];
	v45 =	vor.u32 v31, v52;
	[tilespmem:v35+s14+$0x0] =	vst.idx.msk @p1 $0xffff, v34  }
0x198: {  	s30 =	sadd.s32 $0xC, s23;
	s31 =	sadd.s32 $0xD, s23;
	v49 =	vmov s29;
	v46 =	vshrl.u32 v53, $0x3;
	v56 =	vld [tilespmem:s26+$0xFFFFFF20];
	v57 =	vor.u32 v26, v44;
	[tilespmem:v40+s14+$0x0] =	vst.idx.msk @p1 $0xffff, v37  }
0x199: {  	v50 =	vmov s30;
	v51 =	vmov s31;
	v58 =	vld [tilespmem:s26+$0xFFFFFF30];
	v59 =	vor.u32 v27, v44;
	[tilespmem:v43+s14+$0x0] =	vst.idx.msk @p1 $0xffff, v41  }
0x19a: {  	v49 =	vshrl.u32 v49, $0x3;
	v46 =	vshll.u32 v46, v0;
	v60 =	vld [tilespmem:s26+$0xFFFFFF40];
	v61 =	vor.u32 v28, v44;
	[tilespmem:v33+s14+$0x0] =	vst.idx.msk @p1 $0xffff, v47  }
0x19b: {  	v36 =	vshrl.u32 v54, $0x3;
	v39 =	vshrl.u32 v55, $0x3;
	v62 =	vld [tilespmem:s26+$0xFFFFFF50];
	v63 =	vor.u32 v29, v44;
	[tilespmem:v42+s14+$0x0] =	vst.idx.msk @p1 $0xffff, v38  }
0x19c: {  	v50 =	vshrl.u32 v50, $0x3;
	v51 =	vshrl.u32 v51, $0x3;
	v53 =	vld [tilespmem:s26+$0xFFFFFF70];
	v54 =	vor.u32 v31, v44;
	[tilespmem:v45+s14+$0x0] =	vst.idx.msk $0xffff, v48  }
0x19d: {  	v55 =	vbroadcast v46, $0x0;
	v36 =	vshll.u32 v36, v0;
	v33 =	vld [tilespmem:s26+$0xFFFFFF60];
	v47 =	vor.u32 v30, v44;
	[tilespmem:v57+s14+$0x0] =	vst.idx.msk $0xffff, v56  }
0x19e: {  	v39 =	vshll.u32 v39, v0;
	v36 =	vbroadcast v36, $0x0;
	[tilespmem:v59+s14+$0x0] =	vst.idx.msk $0xffff, v58;
	v56 =	vld [tilespmem:s26+$0xFFFFFF80];
	v57 =	vor.u32 v32, v44  }
0x19f: {  	v39 =	vbroadcast v39, $0x0;
	[tilespmem:v61+s14+$0x0] =	vst.idx.msk $0xffff, v60;
	v58 =	vld [tilespmem:s26+$0xFFFFFF90];
	v59 =	vor.u32 v25, v55;
	v60 =	vshll.u32 v49, v0  }
0x1a0: {  	v36 =	vor.u32 v26, v36;
	[tilespmem:v63+s14+$0x0] =	vst.idx.msk $0xffff, v62;
	v61 =	vld [tilespmem:s26+$0xFFFFFFA0];
	v63 =	vshll.u32 v50, v0;
	v62 =	vbroadcast v60, $0x0  }
0x1a1: {  	v39 =	vor.u32 v27, v39;
	v48 =	vld [tilespmem:s26+$0xFFFFFFB0];
	v49 =	vshll.u32 v51, v0;
	[tilespmem:v54+s14+$0x0] =	vst.idx.msk $0xffff, v53;
	v45 =	vbroadcast v63, $0x0  }
0x1a2: {  	v50 =	vld [tilespmem:s26+$0xFFFFFFC0];
	v52 =	vbroadcast v49, $0x0;
	[tilespmem:v47+s14+$0x0] =	vst.idx.msk $0xffff, v33;
	v51 =	vor.u32 v28, v62  }
0x1a3: {  	v53 =	vld [tilespmem:s26+$0xFFFFFFD0];
	v54 =	vor.u32 v29, v45;
	[tilespmem:v57+s14+$0x0] =	vst.idx.msk $0xffff, v56  }
0x1a4: {  	s2 =	sadd.s32 $0xF, s23;
	v55 =	vld [tilespmem:s26+$0xFFFFFFE0];
	v42 =	vor.u32 v30, v52;
	[tilespmem:v59+s14+$0x0] =	vst.idx.msk $0xffff, v58  }
0x1a5: {  	[tilespmem:v36+s14+$0x0] =	vst.idx.msk $0xffff, v61;
	v56 =	vld [tilespmem:s26+$0x0];
	v57 =	vor.u32 s2, v32  }
0x1a6: {  	v44 =	vor.u32 v25, v44;
	v58 =	vld [tilespmem:s26+$0xFFFFFF10];
	[tilespmem:v39+s14+$0x0] =	vst.idx.msk $0xffff, v48  }
0x1a7: {  	[tilespmem:v51+s14+$0x0] =	vst.idx.msk $0xffff, v50  }
0x1a8: {  	s9 =	sshll.u32 s20, $0x13;
	[tilespmem:v54+s14+$0x0] =	vst.idx.msk $0xffff, v53  }
0x1a9: {  	s0 =	sor.u32 s6, s9;
	[tilespmem:v42+s14+$0x0] =	vst.idx.msk $0xffff, v55  }
0x1aa: {  	s22 =	smin.u32 s22, $0x2F;
	s0 =	sshrl.u32 s0, $0x3;
	[tilespmem:v57+s14+$0x0] =	vst.idx.msk $0xffff, v56  }
0x1ab: {  	s28 =	simm.s32 $0x5;
	s30 =	simm.s32 $0x9;
	s0 =	sadd.s32 s1, s0;
	[tilespmem:v44+s14+$0x0] =	vst.idx.msk $0xffff, v58  }
0x1ac: {  	v40 =	vmov s30;
	[hbm4b:s0+s15] =	stream.strided.scatter [tilespmem:s14], [sflag:$0x2], $0x2000, s16, s15, $0x38;
	[tilespmem:$0xE400] =	vst v63  }
0x1ad: {  	v40 =	vshrl.u32 v40, $0x3;
	v38 =	vmov s28;
	s28 =	simm.s32 $0xD;
	s0 =	sshll.u32 s22, $0x9  }
0x1ae: {  	s23 =	simm.s32 $0x1;
	s30 =	simm.s32 $0x7;
	v40 =	vshll.u32 v40, v0;
	v41 =	vmov s28;
	s0 =	sadd.s32 $0x400, s0  }
0x1af: {  	v38 =	vshrl.u32 v38, $0x3;
	v40 =	vbroadcast v40, $0x0;
	v60 =	vmov s23;
	[tilespmem:s11], [sflag:$0x1] =	stream.indirect.gather [hbm4b:s4+s8], $0x10, s0, s8, $0xb8;
	[tilespmem:$0xE400] =	vst v63  }
0x1b0: {  	s25 =	simm.s32 $0x3;
	s29 =	simm.s32 $0x8;
	v38 =	vshll.u32 v38, v0;
	v49 =	vor.u32 s30, v8;
	v34 =	vshrl.u32 v60, $0x3;
	_ =	swait.ge [sflag:s13], $0x2000  }
0x1b1: {  	s24 =	simm.s32 $0x2;
	v62 =	vmov s25;
	v52 =	vmov s29;
	v60 =	vshll.u32 v34, v0;
	[sflag:s13] =	ssyncset.done $0x0  }
0x1b2: {  	s26 =	simm.s32 $0x4;
	v61 =	vmov s24;
	v36 =	vshrl.u32 v62, $0x3;
	v39 =	vshrl.u32 v52, $0x3;
	s0 =	simm.s32 @!p0 $0x2;
	[sflag:s13] =	ssyncadd.s32 $0xFFFFE000  }
0x1b3: {  	s24 =	simm.s32 $0xB;
	v63 =	vmov s26;
	s26 =	simm.s32 $0xE;
	v45 =	vshrl.u32 v61, $0x3;
	v36 =	vshll.u32 v36, v0;
	_ =	swait.ge @!p0 [sflag:s0], $0x2000  }
0x1b4: {  	v37 =	vshrl.u32 v63, $0x3;
	v53 =	vmov s24;
	v55 =	vmov s26;
	s22 =	simm.s32 $0x0;
	[sflag:s0] =	ssyncset.done @!p0 $0x0  }
0x1b5: {  	s24 =	simm.s32 $0x8480;
	v43 =	vshrl.u32 v55, $0x3;
	v56 =	vshll.u32 v39, v0;
	v59 =	vmov s22;
	[sflag:s0] =	ssyncadd.s32 @!p0 $0xFFFFE000  }
0x1b6: {  	v35 =	vbroadcast v56, $0x0;
	v58 =	vshrl.u32 v59, $0x3;
	v59 =	vshll.u32 v43, v0;
	v61 =	vld [tilespmem:s24+$0x0]  }
0x1b7: {  	v36 =	vbroadcast v36, $0x0;
	v57 =	vshrl.u32 v53, $0x3;
	v33 =	vbroadcast v59, $0x0;
	v34 =	vld [tilespmem:s24+$0xFFFFFF80]  }
0x1b8: {  	s25 =	simm.s32 $0xC;
	v39 =	vshll.u32 v57, v0;
	v35 =	vor.u32 v1, v35;
	v43 =	vbroadcast v60, $0x0;
	v62 =	vld [tilespmem:s24+$0x60]  }
0x1b9: {  	v54 =	vmov s25;
	v39 =	vbroadcast v39, $0x0;
	v63 =	vor.u32 v7, v33;
	v52 =	vld [tilespmem:s24+$0xFFFFFF90]  }
0x1ba: {  	v37 =	vshll.u32 v37, v0;
	v42 =	vshrl.u32 v54, $0x3;
	v43 =	vor.u32 v2, v43;
	v53 =	vld [tilespmem:s24+$0x30]  }
0x1bb: {  	s29 =	simm.s32 $0xA;
	v37 =	vbroadcast v37, $0x0;
	v42 =	vshll.u32 v42, v0;
	v39 =	vor.u32 v4, v39;
	v54 =	vld [tilespmem:s24+$0xFFFFFFF0]  }
0x1bc: {  	s31 =	simm.s32 $0x6;
	v46 =	vmov s29;
	v45 =	vshll.u32 v45, v0;
	v42 =	vbroadcast v42, $0x0;
	v55 =	vld [tilespmem:s24+$0xFFFFFFC0]  }
0x1bd: {  	v36 =	vor.u32 v4, v36;
	v44 =	vmov s31;
	s31 =	simm.s32 $0xF;
	v56 =	vor.u32 v5, v37;
	v59 =	vld [tilespmem:s24+$0x40];
	[tilespmem:v35+s17+$0x0] =	vst.idx.msk $0xffff, v61  }
0x1be: {  	v57 =	vbroadcast v45, $0x0;
	v45 =	vor.u32 s31, v8;
	v60 =	vor.u32 v5, v42;
	v37 =	vld [tilespmem:s24+$0xFFFFFFB0];
	[tilespmem:v63+s17+$0x0] =	vst.idx.msk $0xffff, v62  }
0x1bf: {  	v47 =	vshll.u32 v58, v0;
	v58 =	vbroadcast v38, $0x0;
	v35 =	vld [tilespmem:s24+$0x50];
	[tilespmem:v43+s17+$0x0] =	vst.idx.msk $0xffff, v52;
	v61 =	vshrl.u32 v41, $0x3  }
0x1c0: {  	v38 =	vor.u32 v3, v57;
	v48 =	vbroadcast v47, $0x0;
	[tilespmem:v39+s17+$0x0] =	vst.idx.msk $0xffff, v53;
	v43 =	vld [tilespmem:s24+$0x70];
	v39 =	vshll.u32 v61, v0  }
0x1c1: {  	v42 =	vor.u32 v6, v58;
	v41 =	vld [tilespmem:s24+$0xFFFFFFD0];
	[tilespmem:v49+s17+$0x0] =	vst.idx.msk $0xffff, v54;
	v62 =	vshrl.u32 v46, $0x3;
	v39 =	vbroadcast v39, $0x0  }
0x1c2: {  	[tilespmem:v56+s17+$0x0] =	vst.idx.msk $0xffff, v55;
	v63 =	vshrl.u32 v44, $0x3;
	v44 =	vld [tilespmem:s24+$0x10];
	v46 =	vor.u32 v2, v40;
	v47 =	vshll.u32 v62, v0  }
0x1c3: {  	s23 =	simm.s32 $0x8CF0;
	s25 =	simm.s32 $0x10;
	s26 =	simm.s32 $0x8580;
	v40 =	vld [tilespmem:s24+$0xFFFFFFA0];
	[tilespmem:v60+s17+$0x0] =	vst.idx.msk $0xffff, v59;
	v49 =	vshll.u32 v63, v0;
	v47 =	vbroadcast v47, $0x0;
	v39 =	vor.u32 v6, v39  }
.LBB2_16:
0x1c4: {  	s0 =	sadd.s32 $0x1, s25  }
0x1c5: {  	v50 =	vld [tilespmem:s26+$0xFFFFFF80];
	v51 =	vmov s25;
	s2 =	sadd.s32 $0x2, s25;
	s9 =	sadd.s32 $0x3, s25;
	v48 =	vor.u32 v1, v48;
	v49 =	vbroadcast v49, $0x0;
	[tilespmem:v45+s17+$0x0] =	vst.idx.msk $0xffff, v43;
	s28 =	smov.u32 s25  }
0x1c6: {  	v43 =	vmov s0;
	v45 =	vmov s2;
	v52 =	vmov s9;
	s0 =	sadd.s32 $0x4, s25;
	s2 =	sadd.s32 $0x5, s25;
	s9 =	sadd.s32 $0x6, s25;
	[tilespmem:v42+s17+$0x0] =	vst.idx.msk $0xffff, v41  }
0x1c7: {  	s29 =	sadd.s32 $0xA, s25;
	v41 =	vmov s0;
	v42 =	vmov s2;
	s0 =	sadd.s32 $0x8, s25;
	s2 =	sadd.s32 $0x9, s25;
	v53 =	vld [tilespmem:s24+$0xFFFFFFE0];
	v49 =	vor.u32 v7, v49  }
0x1c8: {  	s30 =	sadd.s32 $0xD, s25;
	v54 =	vmov s0;
	v55 =	vmov s2;
	s0 =	sadd.s32 $0xB, s25;
	s2 =	sadd.s32 $0xC, s25;
	[tilespmem:v46+s17+$0x0] =	vst.idx.msk $0xffff, v44;
	v44 =	vld [tilespmem:s24+$0x20];
	v46 =	vor.u32 v3, v47  }
0x1c9: {  	p0 =	slt.u32 s25, $0x70;
	v47 =	vmov s9;
	s25 =	sadd.s32 $0x10, s25;
	v56 =	vmov s0;
	v57 =	vmov s2;
	s0 =	sadd.s32 $0xE, s28;
	[tilespmem:v38+s17+$0x0] =	vst.idx.msk $0xffff, v40  }
0x1ca: {  	s24 =	smov.u32 s26;
	v38 =	vshrl.u32 v52, $0x3;
	v40 =	vshrl.u32 v54, $0x3;
	v52 =	vmov s0;
	[tilespmem:v48+s17+$0x0] =	vst.idx.msk $0xffff, v34;
	v34 =	vmovc v50  }
0x1cb: {  	v43 =	vshrl.u32 v43, $0x3;
	v45 =	vshrl.u32 v45, $0x3;
	v40 =	vshll.u32 v40, v0;
	[tilespmem:v36+s17+$0x0] =	vst.idx.msk $0xffff, v37  }
0x1cc: {  	v36 =	vbroadcast v40, $0x0;
	v37 =	vshrl.u32 v56, $0x3;
	v40 =	vmov s30;
	[tilespmem:v49+s17+$0x0] =	vst.idx.msk $0xffff, v53  }
0x1cd: {  	v48 =	vshrl.u32 v57, $0x3;
	v50 =	vshrl.u32 v52, $0x3;
	v49 =	vmov s29;
	[tilespmem:v46+s17+$0x0] =	vst.idx.msk $0xffff, v44  }
0x1ce: {  	v44 =	vshrl.u32 v51, $0x3;
	v36 =	vor.u32 v1, v36;
	v46 =	vshll.u32 v50, v0;
	[tilespmem:v39+s17+$0x0] =	vst.idx.msk $0xffff, v35  }
0x1cf: {  	v37 =	vshll.u32 v37, v0;
	v35 =	vshll.u32 v43, v0;
	v43 =	vbroadcast v46, $0x0;
	v39 =	vld [tilespmem:s26+$0x0]  }
0x1d0: {  	v41 =	vshrl.u32 v41, $0x3;
	s0 =	sadd.s32 $0x7, s28;
	v46 =	vshll.u32 v48, v0;
	v35 =	vbroadcast v35, $0x0  }
0x1d1: {  	v50 =	vor.u32 s0, v8;
	v37 =	vbroadcast v37, $0x0;
	v43 =	vor.u32 v7, v43;
	v48 =	vld [tilespmem:s26+$0x60]  }
0x1d2: {  	v46 =	vbroadcast v46, $0x0;
	v52 =	vor.u32 v2, v35;
	v35 =	vshrl.u32 v55, $0x3;
	v51 =	vld [tilespmem:s26+$0xFFFFFF90]  }
0x1d3: {  	v41 =	vshll.u32 v41, v0;
	v44 =	vshll.u32 v44, v0;
	v37 =	vor.u32 v4, v37;
	v53 =	vld [tilespmem:s26+$0x30]  }
0x1d4: {  	v42 =	vshrl.u32 v42, $0x3;
	v41 =	vbroadcast v41, $0x0;
	[tilespmem:v36+s17+$0x0] =	vst.idx.msk $0xffff, v39;
	v36 =	vshll.u32 v35, v0;
	v35 =	vld [tilespmem:s26+$0x50]  }
0x1d5: {  	v42 =	vshll.u32 v42, v0;
	v38 =	vshll.u32 v38, v0;
	v39 =	vshll.u32 v45, v0;
	v54 =	vld [tilespmem:s26+$0xFFFFFFF0]  }
0x1d6: {  	v38 =	vbroadcast v38, $0x0;
	v56 =	vor.u32 v5, v41;
	v57 =	vbroadcast v36, $0x0;
	v55 =	vld [tilespmem:s26+$0xFFFFFFC0];
	[tilespmem:v43+s17+$0x0] =	vst.idx.msk $0xffff, v48  }
0x1d7: {  	v42 =	vbroadcast v42, $0x0;
	s0 =	sadd.s32 $0xF, s28;
	v39 =	vbroadcast v39, $0x0;
	[tilespmem:v52+s17+$0x0] =	vst.idx.msk $0xffff, v51;
	v51 =	vld [tilespmem:s26+$0x40];
	v52 =	vor.u32 v5, v46  }
.Ltmp10:
0x1d8: {  	v45 =	vor.u32 s0, v8;
	v36 =	vor.u32 v4, v38;
	[tilespmem:v37+s17+$0x0] =	vst.idx.msk $0xffff, v53;
	v37 =	vshrl.u32 v40, $0x3;
	v43 =	vld [tilespmem:s26+$0x70];
	(pc) =	sbr.rel @p0 .LBB2_16-.Ltmp10, $4  }
0x1d9: {  	v42 =	vor.u32 v6, v42;
	v38 =	vor.u32 v3, v39;
	v41 =	vld [tilespmem:s26+$0xFFFFFFD0];
	v39 =	vshll.u32 v37, v0  }
0x1da: {  	v48 =	vbroadcast v44, $0x0;
	v40 =	vshrl.u32 v49, $0x3;
	v37 =	vld [tilespmem:s26+$0xFFFFFFB0];
	[tilespmem:v50+s17+$0x0] =	vst.idx.msk $0xffff, v54;
	v39 =	vbroadcast v39, $0x0  }
0x1db: {  	v47 =	vshrl.u32 v47, $0x3;
	v46 =	vor.u32 v2, v57;
	v50 =	vshll.u32 v40, v0;
	[tilespmem:v56+s17+$0x0] =	vst.idx.msk $0xffff, v55;
	v44 =	vld [tilespmem:s26+$0x10]  }
0x1dc: {  	v49 =	vshll.u32 v47, v0;
	v47 =	vbroadcast v50, $0x0;
	s26 =	sadd.s32 $0x100, s26;
	v40 =	vld [tilespmem:s24+$0xFFFFFFA0];
	[tilespmem:v52+s17+$0x0] =	vst.idx.msk $0xffff, v51;
	v39 =	vor.u32 v6, v39  }
0x1dd: {  	_ =	sdelay $0x3  }
0x1de: {  	[tilespmem:v45+s17+$0x0] =	vst.idx.msk $0xffff, v43  }
0x1df: {  	v48 =	vor.u32 v1, v48;
	v49 =	vbroadcast v49, $0x0;
	[tilespmem:v39+s17+$0x0] =	vst.idx.msk $0xffff, v35  }
0x1e0: {  	v52 =	vld [tilespmem:s24+$0x20];
	[tilespmem:v42+s17+$0x0] =	vst.idx.msk $0xffff, v41;
	v53 =	vor.u32 v3, v47  }
0x1e1: {  	v50 =	vld [tilespmem:s24+$0xFFFFFFE0];
	v51 =	vor.u32 v7, v49;
	[tilespmem:v36+s17+$0x0] =	vst.idx.msk $0xffff, v37  }
0x1e2: {  	[tilespmem:v46+s17+$0x0] =	vst.idx.msk $0xffff, v44  }
0x1e3: {  	v54 =	vmov s22;
	[tilespmem:v38+s17+$0x0] =	vst.idx.msk $0xffff, v40  }
0x1e4: {  	[tilespmem:v48+s17+$0x0] =	vst.idx.msk $0xffff, v34;
	v34 =	vshrl.u32 v54, $0x3  }
0x1e5: {  	[tilespmem:v53+s17+$0x0] =	vst.idx.msk $0xffff, v52;
	v34 =	vshll.u32 v34, v0  }
0x1e6: {  	s0 =	simm.s32 $0x8;
	s28 =	simm.s32 $0x9;
	s2 =	simm.s32 $0xA;
	v33 =	vor.u32 v15, v33;
	[tilespmem:v51+s17+$0x0] =	vst.idx.msk $0xffff, v50;
	v34 =	vbroadcast v34, $0x0  }
0x1e7: {  	s29 =	simm.s32 $0xB;
	s30 =	simm.s32 $0xC;
	v55 =	vmov s0;
	v56 =	vmov s28;
	v57 =	vmov s2;
	v38 =	vld [tilespmem:s23+$0xFFFFFFF0]  }
0x1e8: {  	s31 =	simm.s32 $0xD;
	v59 =	vmov s29;
	v60 =	vmov s30;
	v39 =	vld [tilespmem:s23+$0xFFFFFF20];
	v58 =	vor.u32 v10, v34  }
0x1e9: {  	v62 =	vmov s31;
	v35 =	vshrl.u32 v55, $0x3;
	v44 =	vld [tilespmem:s23+$0xFFFFFF30];
	v61 =	vor.u32 v11, v34  }
0x1ea: {  	v36 =	vshrl.u32 v56, $0x3;
	v37 =	vshrl.u32 v57, $0x3;
	v46 =	vld [tilespmem:s23+$0xFFFFFF40];
	v63 =	vor.u32 v12, v34  }
0x1eb: {  	v35 =	vshll.u32 v35, v0;
	v54 =	vshrl.u32 v62, $0x3;
	v48 =	vld [tilespmem:s23+$0xFFFFFF50];
	v57 =	vor.u32 v13, v34  }
0x1ec: {  	v50 =	vshrl.u32 v59, $0x3;
	v51 =	vshrl.u32 v60, $0x3;
	v52 =	vld [tilespmem:s23+$0xFFFFFF60];
	v53 =	vor.u32 v14, v34;
	[tilespmem:v33+s17+$0x0] =	vst.idx.msk $0xffff, v38  }
0x1ed: {  	v59 =	vshll.u32 v36, v0;
	v40 =	vld [tilespmem:s23+$0xFFFFFF70];
	v43 =	vor.u32 v15, v34;
	[tilespmem:v58+s17+$0x0] =	vst.idx.msk $0xffff, v39;
	v58 =	vbroadcast v35, $0x0  }
0x1ee: {  	v60 =	vshll.u32 v37, v0;
	v41 =	vor.u32 v16, v34;
	v38 =	vld [tilespmem:s23+$0xFFFFFF80];
	[tilespmem:v61+s17+$0x0] =	vst.idx.msk $0xffff, v44;
	v35 =	vbroadcast v59, $0x0  }
0x1ef: {  	v62 =	vshll.u32 v50, v0;
	[tilespmem:v63+s17+$0x0] =	vst.idx.msk $0xffff, v46;
	v39 =	vld [tilespmem:s23+$0xFFFFFF90];
	v61 =	vbroadcast v60, $0x0;
	v42 =	vor.u32 v9, v58  }
0x1f0: {  	v36 =	vld [tilespmem:s23+$0xFFFFFFA0];
	[tilespmem:v57+s17+$0x0] =	vst.idx.msk $0xffff, v48;
	v44 =	vbroadcast v62, $0x0;
	v63 =	vshll.u32 v51, v0;
	v37 =	vor.u32 v10, v35  }
0x1f1: {  	s24 =	simm.s32 $0x10;
	s25 =	simm.s32 $0x20;
	s0 =	simm.s32 $0x1E;
	v33 =	vld [tilespmem:s23+$0xFFFFFFB0];
	[tilespmem:v53+s17+$0x0] =	vst.idx.msk $0xffff, v52;
	v46 =	vshll.u32 v54, v0;
	v45 =	vbroadcast v63, $0x0;
	v35 =	vor.u32 v11, v61  }
.LBB2_18:
0x1f2: {  	p0 =	slt.u32 s25, $0x70;
	v47 =	vmov s0;
	[tilespmem:v43+s17+$0x0] =	vst.idx.msk $0xffff, v40;
	v40 =	vld [tilespmem:s23+$0xFFFFFFC0];
	v43 =	vor.u32 v12, v44;
	v44 =	vbroadcast v46, $0x0  }
0x1f3: {  	v46 =	vmov s24;
	v47 =	vshrl.u32 v47, $0x3;
	[tilespmem:v41+s17+$0x0] =	vst.idx.msk $0xffff, v38;
	v38 =	vld [tilespmem:s23+$0xFFFFFFD0];
	v41 =	vor.u32 v13, v45  }
0x1f4: {  	s0 =	sadd.s32 $0xF, s22;
	s22 =	smov.u32 s24;
	s24 =	smov.u32 s25;
	v45 =	vshrl.u32 v46, $0x3;
	v46 =	vshll.u32 v47, v0;
	[tilespmem:v42+s17+$0x0] =	vst.idx.msk $0xffff, v39;
	v39 =	vld [tilespmem:s23+$0xFFFFFFE0];
	v42 =	vor.u32 v14, v44  }
0x1f5: {  	s2 =	sadd.s32 $0x8, s22;
	v44 =	vshll.u32 v45, v0;
	v45 =	vbroadcast v46, $0x0;
	[tilespmem:v37+s17+$0x0] =	vst.idx.msk $0xffff, v36;
	v36 =	vld [tilespmem:s23+$0x0];
	v37 =	vor.u32 s0, v16  }
0x1f6: {  	v48 =	vor.u32 v9, v34;
	v46 =	vmov s2;
	s0 =	sadd.s32 $0x9, s22;
	s2 =	sadd.s32 $0xA, s22;
	v34 =	vbroadcast v44, $0x0;
	v47 =	vld [tilespmem:s23+$0xFFFFFF10];
	[tilespmem:v35+s17+$0x0] =	vst.idx.msk $0xffff, v33;
	s23 =	sadd.s32 $0x100, s23  }
0x1f7: {  	v33 =	vmov s0;
	v35 =	vmov s2;
	s0 =	sadd.s32 $0xB, s22;
	s2 =	sadd.s32 $0xC, s22;
	v44 =	vld [tilespmem:s23+$0xFFFFFFF0];
	v45 =	vor.u32 v15, v45;
	[tilespmem:v43+s17+$0x0] =	vst.idx.msk $0xffff, v40  }
0x1f8: {  	v43 =	vor.u32 v10, v34;
	v49 =	vmov s0;
	v50 =	vmov s2;
	s0 =	sadd.s32 $0xD, s22;
	v40 =	vld [tilespmem:s23+$0xFFFFFF20];
	[tilespmem:v41+s17+$0x0] =	vst.idx.msk $0xffff, v38  }
0x1f9: {  	v46 =	vshrl.u32 v46, $0x3;
	v41 =	vor.u32 v11, v34;
	v51 =	vmov s0;
	v38 =	vld [tilespmem:s23+$0xFFFFFF30];
	[tilespmem:v42+s17+$0x0] =	vst.idx.msk $0xffff, v39  }
0x1fa: {  	v33 =	vshrl.u32 v33, $0x3;
	v35 =	vshrl.u32 v35, $0x3;
	v42 =	vor.u32 v12, v34;
	v39 =	vld [tilespmem:s23+$0xFFFFFF40];
	[tilespmem:v37+s17+$0x0] =	vst.idx.msk $0xffff, v36  }
0x1fb: {  	v49 =	vshrl.u32 v49, $0x3;
	v50 =	vshrl.u32 v50, $0x3;
	v37 =	vor.u32 v13, v34;
	v36 =	vld [tilespmem:s23+$0xFFFFFF50];
	[tilespmem:v48+s17+$0x0] =	vst.idx.msk $0xffff, v47  }
0x1fc: {  	v46 =	vshll.u32 v46, v0;
	v51 =	vshrl.u32 v51, $0x3;
	v48 =	vor.u32 v14, v34;
	v47 =	vld [tilespmem:s23+$0xFFFFFF60];
	[tilespmem:v45+s17+$0x0] =	vst.idx.msk $0xffff, v44  }
.Ltmp11:
0x1fd: {  	v33 =	vshll.u32 v33, v0;
	v44 =	vbroadcast v46, $0x0;
	[tilespmem:v43+s17+$0x0] =	vst.idx.msk $0xffff, v40;
	v40 =	vld [tilespmem:s23+$0xFFFFFF70];
	v43 =	vor.u32 v15, v34;
	(pc) =	sbr.rel @p0 .LBB2_18-.Ltmp11, $4  }
0x1fe: {  	v35 =	vshll.u32 v35, v0;
	v33 =	vbroadcast v33, $0x0;
	[tilespmem:v41+s17+$0x0] =	vst.idx.msk $0xffff, v38;
	v38 =	vld [tilespmem:s23+$0xFFFFFF80];
	v41 =	vor.u32 v16, v34  }
0x1ff: {  	v35 =	vbroadcast v35, $0x0;
	[tilespmem:v42+s17+$0x0] =	vst.idx.msk $0xffff, v39;
	v39 =	vld [tilespmem:s23+$0xFFFFFF90];
	v42 =	vor.u32 v9, v44;
	v44 =	vshll.u32 v49, v0  }
0x200: {  	v45 =	vshll.u32 v50, v0;
	[tilespmem:v37+s17+$0x0] =	vst.idx.msk $0xffff, v36;
	v36 =	vld [tilespmem:s23+$0xFFFFFFA0];
	v37 =	vor.u32 v10, v33;
	v44 =	vbroadcast v44, $0x0  }
0x201: {  	s25 =	sadd.s32 $0x10, s25;
	s0 =	sadd.s32 $0xE, s24;
	v35 =	vor.u32 v11, v35;
	v46 =	vshll.u32 v51, v0;
	v45 =	vbroadcast v45, $0x0;
	[tilespmem:v48+s17+$0x0] =	vst.idx.msk $0xffff, v47;
	v33 =	vld [tilespmem:s23+$0xFFFFFFB0]  }
0x202: {  	_ =	sdelay $0x3  }
0x203: {  	v47 =	vmov s0;
	[tilespmem:v43+s17+$0x0] =	vst.idx.msk $0xffff, v40;
	v40 =	vld [tilespmem:s23+$0xFFFFFFC0];
	v43 =	vor.u32 v12, v44;
	v58 =	vbroadcast v46, $0x0  }
0x204: {  	v59 =	vmov s24;
	v55 =	vld [tilespmem:s23+$0xFFFFFF10];
	v34 =	vor.u32 v9, v34;
	v47 =	vshrl.u32 v47, $0x3;
	[tilespmem:v41+s17+$0x0] =	vst.idx.msk $0xffff, v38  }
0x205: {  	v38 =	vld [tilespmem:s23+$0xFFFFFFD0];
	v41 =	vor.u32 v13, v45;
	v60 =	vshrl.u32 v59, $0x3;
	v61 =	vshll.u32 v47, v0;
	[tilespmem:v42+s17+$0x0] =	vst.idx.msk $0xffff, v39  }
0x206: {  	v62 =	vld [tilespmem:s23+$0xFFFFFFE0];
	s31 =	sadd.s32 $0xF, s22;
	v63 =	vor.u32 v14, v58;
	v52 =	vshll.u32 v60, v0;
	v53 =	vbroadcast v61, $0x0;
	[tilespmem:v37+s17+$0x0] =	vst.idx.msk $0xffff, v36  }
0x207: {  	s2 =	sadd.s32 $0x8, s24;
	v36 =	vld [tilespmem:s23+$0x0];
	v37 =	vor.u32 s31, v16;
	v44 =	vbroadcast v52, $0x0;
	s23 =	sadd.s32 $0x100, s23;
	[tilespmem:v35+s17+$0x0] =	vst.idx.msk $0xffff, v33  }
0x208: {  	s9 =	sadd.s32 $0x9, s24;
	s22 =	sadd.s32 $0xA, s24;
	v54 =	vmov s2;
	v48 =	vld [tilespmem:s23+$0xFFFFFFF0];
	v45 =	vor.u32 v15, v53;
	[tilespmem:v43+s17+$0x0] =	vst.idx.msk $0xffff, v40  }
0x209: {  	s25 =	sadd.s32 $0xB, s24;
	s26 =	sadd.s32 $0xC, s24;
	v56 =	vmov s9;
	v57 =	vmov s22;
	v58 =	vld [tilespmem:s23+$0xFFFFFF20];
	v59 =	vor.u32 v10, v44;
	[tilespmem:v34+s17+$0x0] =	vst.idx.msk $0xffff, v55  }
0x20a: {  	v49 =	vmov s25;
	v50 =	vmov s26;
	v60 =	vld [tilespmem:s23+$0xFFFFFF30];
	v61 =	vor.u32 v11, v44;
	[tilespmem:v41+s17+$0x0] =	vst.idx.msk $0xffff, v38  }
0x20b: {  	v46 =	vshrl.u32 v54, $0x3;
	v35 =	vshrl.u32 v57, $0x3;
	v54 =	vld [tilespmem:s23+$0xFFFFFF60];
	v55 =	vor.u32 v14, v44;
	[tilespmem:v63+s17+$0x0] =	vst.idx.msk $0xffff, v62  }
0x20c: {  	s30 =	sadd.s32 $0xD, s24;
	v33 =	vshrl.u32 v56, $0x3;
	v56 =	vld [tilespmem:s23+$0xFFFFFF70];
	v57 =	vor.u32 v15, v44;
	v35 =	vshll.u32 v35, v0;
	[tilespmem:v37+s17+$0x0] =	vst.idx.msk $0xffff, v36  }
0x20d: {  	v51 =	vmov s30;
	v35 =	vbroadcast v35, $0x0;
	v62 =	vld [tilespmem:s23+$0xFFFFFF40];
	v63 =	vor.u32 v12, v44;
	[tilespmem:v45+s17+$0x0] =	vst.idx.msk $0xffff, v48  }
0x20e: {  	v50 =	vshrl.u32 v50, $0x3;
	v33 =	vshll.u32 v33, v0;
	v36 =	vld [tilespmem:s23+$0xFFFFFF50];
	v37 =	vor.u32 v13, v44;
	[tilespmem:v59+s17+$0x0] =	vst.idx.msk $0xffff, v58  }
0x20f: {  	v46 =	vshll.u32 v46, v0;
	v53 =	vld [tilespmem:s23+$0xFFFFFFB0];
	v33 =	vbroadcast v33, $0x0;
	v35 =	vor.u32 v11, v35;
	[tilespmem:v61+s17+$0x0] =	vst.idx.msk $0xffff, v60  }
0x210: {  	v52 =	vshll.u32 v50, v0;
	v58 =	vbroadcast v46, $0x0;
	v59 =	vld [tilespmem:s23+$0xFFFFFF80];
	v60 =	vor.u32 v16, v44;
	[tilespmem:v55+s17+$0x0] =	vst.idx.msk $0xffff, v54  }
0x211: {  	v49 =	vshrl.u32 v49, $0x3;
	v33 =	vor.u32 v10, v33;
	v48 =	vld [tilespmem:s23+$0xFFFFFFA0];
	v45 =	vbroadcast v52, $0x0;
	[tilespmem:v57+s17+$0x0] =	vst.idx.msk $0xffff, v56  }
0x212: {  	v51 =	vshrl.u32 v51, $0x3;
	v61 =	vld [tilespmem:s23+$0xFFFFFF90];
	[tilespmem:v63+s17+$0x0] =	vst.idx.msk $0xffff, v62;
	v62 =	vor.u32 v9, v58;
	v63 =	vshll.u32 v49, v0  }
0x213: {  	v54 =	vshll.u32 v51, v0;
	v57 =	vld [tilespmem:s23+$0xFFFFFFD0];
	v58 =	vor.u32 v13, v45;
	[tilespmem:v37+s17+$0x0] =	vst.idx.msk $0xffff, v36;
	v49 =	vbroadcast v63, $0x0  }
0x214: {  	v44 =	vor.u32 v9, v44;
	v56 =	vbroadcast v54, $0x0;
	v63 =	vld [tilespmem:s23+$0xFFFFFF10];
	[tilespmem:v35+s17+$0x0] =	vst.idx.msk $0xffff, v53  }
0x215: {  	v55 =	vld [tilespmem:s23+$0xFFFFFFC0];
	v37 =	vor.u32 v12, v49;
	[tilespmem:v60+s17+$0x0] =	vst.idx.msk $0xffff, v59  }
0x216: {  	s31 =	sadd.s32 $0xF, s24;
	v59 =	vld [tilespmem:s23+$0xFFFFFFE0];
	v60 =	vor.u32 v14, v56;
	[tilespmem:v33+s17+$0x0] =	vst.idx.msk $0xffff, v48  }
0x217: {  	p1 =	por $0x1, $0x1;
	[tilespmem:v62+s17+$0x0] =	vst.idx.msk $0xffff, v61;
	v61 =	vld [tilespmem:s23+$0x0];
	v62 =	vor.u32 s31, v16  }
.Ltmp12:
0x218: {  	[tilespmem:v58+s17+$0x0] =	vst.idx.msk $0xffff, v57;
	(pc) =	sbr.rel @!p1 .LBB2_23-.Ltmp12, $4  }
0x219: {  	[tilespmem:v44+s17+$0x0] =	vst.idx.msk $0xffff, v63  }
0x21a: {  	p0 =	por $0x0, $0x0;
	s0 =	simm.s32 $0xE;
	s28 =	simm.s32 $0x94F0;
	[tilespmem:v37+s17+$0x0] =	vst.idx.msk $0xffff, v55  }
0x21b: {  	p2 =	por $0x0, $0x0;
	s25 =	simm.s32 $0x94F0;
	s22 =	simm.s32 $0x10;
	[tilespmem:v60+s17+$0x0] =	vst.idx.msk $0xffff, v59  }
0x21c: {  	s26 =	simm.s32 $0x0;
	s24 =	simm.s32 $0xE;
	s23 =	simm.s32 $0x0;
	[tilespmem:v62+s17+$0x0] =	vst.idx.msk $0xffff, v61  }
0x21d: {  	v33 =	vmov s24  }
0x21e: {  	v34 =	vmov s23;
	v33 =	vshrl.u32 v33, $0x3  }
0x21f: {  	v34 =	vshrl.u32 v34, $0x3;
	v33 =	vshll.u32 v33, v0  }
0x220: {  	s0 =	simm.s32 $0x8;
	v34 =	vshll.u32 v34, v0;
	v35 =	vbroadcast v33, $0x0  }
0x221: {  	s31 =	simm.s32 $0x9;
	s2 =	simm.s32 $0xA;
	v57 =	vmov s0;
	v33 =	vbroadcast v34, $0x0  }
0x222: {  	s9 =	simm.s32 $0xB;
	s26 =	simm.s32 $0xC;
	v38 =	vld [tilespmem:s25+$0xFFFFFFF0];
	v36 =	vmov s31;
	v37 =	vmov s2;
	v35 =	vor.u32 v23, v35  }
0x223: {  	v39 =	vld [tilespmem:s25+$0xFFFFFF20];
	v41 =	vmov s9;
	v42 =	vmov s26;
	s31 =	simm.s32 $0xD;
	v40 =	vor.u32 v18, v33  }
0x224: {  	v43 =	vld [tilespmem:s25+$0xFFFFFF30];
	v45 =	vmov s31;
	v36 =	vshrl.u32 v36, $0x3;
	v44 =	vor.u32 v19, v33  }
0x225: {  	v46 =	vld [tilespmem:s25+$0xFFFFFF40];
	v37 =	vshrl.u32 v37, $0x3;
	v50 =	vshrl.u32 v41, $0x3;
	v47 =	vor.u32 v20, v33  }
0x226: {  	v48 =	vld [tilespmem:s25+$0xFFFFFF50];
	v51 =	vshrl.u32 v42, $0x3;
	v34 =	vshrl.u32 v57, $0x3;
	v49 =	vor.u32 v21, v33  }
0x227: {  	v52 =	vld [tilespmem:s25+$0xFFFFFF60];
	p3 =	por $0x1, $0x1;
	v54 =	vshrl.u32 v45, $0x3;
	v58 =	vshll.u32 v34, v0;
	v53 =	vor.u32 v22, v33;
	[tilespmem:v35+s17+$0x0] =	vst.idx.msk $0xffff, v38  }
.Ltmp13:
0x228: {  	v60 =	vshll.u32 v36, v0;
	v34 =	vld [tilespmem:s25+$0xFFFFFF70];
	v59 =	vbroadcast v58, $0x0;
	[tilespmem:v40+s17+$0x0] =	vst.idx.msk $0xffff, v39;
	v35 =	vor.u32 v23, v33;
	(pc) =	sbr.rel @!p3 .LBB2_21-.Ltmp13, $4  }
0x229: {  	v36 =	vld [tilespmem:s25+$0xFFFFFF80];
	v37 =	vshll.u32 v37, v0;
	[tilespmem:v44+s17+$0x0] =	vst.idx.msk $0xffff, v43;
	v39 =	vor.u32 v24, v33;
	v40 =	vbroadcast v60, $0x0  }
0x22a: {  	v41 =	vld [tilespmem:s25+$0xFFFFFF90];
	v62 =	vshll.u32 v50, v0;
	v61 =	vbroadcast v37, $0x0;
	[tilespmem:v47+s17+$0x0] =	vst.idx.msk $0xffff, v46;
	v43 =	vor.u32 v17, v59  }
0x22b: {  	s30 =	simm.s32 $0x20;
	p2 =	por $0x1, $0x1;
	s28 =	simm.s32 $0x94F0;
	v63 =	vshll.u32 v51, v0;
	[tilespmem:v49+s17+$0x0] =	vst.idx.msk $0xffff, v48;
	v38 =	vld [tilespmem:s25+$0xFFFFFFA0];
	v44 =	vbroadcast v62, $0x0;
	v42 =	vor.u32 v18, v40  }
0x22c: {  	s29 =	simm.s32 $0x0;
	s0 =	simm.s32 $0x1E;
	s26 =	simm.s32 $0x10;
	v37 =	vld [tilespmem:s25+$0xFFFFFFB0];
	v45 =	vbroadcast v63, $0x0;
	[tilespmem:v53+s17+$0x0] =	vst.idx.msk $0xffff, v52;
	v46 =	vshll.u32 v54, v0;
	v40 =	vor.u32 v19, v61  }
.LBB2_22:
0x22d: {  	p3 =	slt.u32 s30, $0x70;
	v47 =	vmov s0;
	[tilespmem:v35+s17+$0x0] =	vst.idx.msk $0xffff, v34;
	v34 =	vld [tilespmem:s28+$0xFFFFFFC0];
	v35 =	vor.u32 v20, v44;
	v44 =	vbroadcast v46, $0x0  }
0x22e: {  	v46 =	vmov s26;
	v47 =	vshrl.u32 v47, $0x3;
	[tilespmem:v39+s17+$0x0] =	vst.idx.msk $0xffff, v36;
	v36 =	vld [tilespmem:s28+$0xFFFFFFD0];
	v39 =	vor.u32 v21, v45  }
0x22f: {  	s0 =	sadd.s32 $0xF, s29;
	s29 =	smov.u32 s26;
	s26 =	smov.u32 s30;
	v45 =	vshrl.u32 v46, $0x3;
	v46 =	vshll.u32 v47, v0;
	[tilespmem:v43+s17+$0x0] =	vst.idx.msk $0xffff, v41;
	v41 =	vld [tilespmem:s28+$0xFFFFFFE0];
	v43 =	vor.u32 v22, v44  }
0x230: {  	s2 =	sadd.s32 $0x8, s29;
	v44 =	vshll.u32 v45, v0;
	v45 =	vbroadcast v46, $0x0;
	[tilespmem:v42+s17+$0x0] =	vst.idx.msk $0xffff, v38;
	v38 =	vld [tilespmem:s28+$0x0];
	v42 =	vor.u32 s0, v24  }
0x231: {  	v48 =	vor.u32 v17, v33;
	v46 =	vmov s2;
	s0 =	sadd.s32 $0x9, s29;
	s2 =	sadd.s32 $0xA, s29;
	v33 =	vbroadcast v44, $0x0;
	v47 =	vld [tilespmem:s28+$0xFFFFFF10];
	[tilespmem:v40+s17+$0x0] =	vst.idx.msk $0xffff, v37;
	s28 =	sadd.s32 $0x100, s28  }
0x232: {  	v37 =	vmov s0;
	v40 =	vmov s2;
	s0 =	sadd.s32 $0xB, s29;
	s2 =	sadd.s32 $0xC, s29;
	v44 =	vld [tilespmem:s28+$0xFFFFFFF0];
	v45 =	vor.u32 v23, v45;
	[tilespmem:v35+s17+$0x0] =	vst.idx.msk $0xffff, v34  }
0x233: {  	v35 =	vor.u32 v18, v33;
	v49 =	vmov s0;
	v50 =	vmov s2;
	s0 =	sadd.s32 $0xD, s29;
	v34 =	vld [tilespmem:s28+$0xFFFFFF20];
	[tilespmem:v39+s17+$0x0] =	vst.idx.msk $0xffff, v36  }
0x234: {  	v46 =	vshrl.u32 v46, $0x3;
	v39 =	vor.u32 v19, v33;
	v51 =	vmov s0;
	v36 =	vld [tilespmem:s28+$0xFFFFFF30];
	[tilespmem:v43+s17+$0x0] =	vst.idx.msk $0xffff, v41  }
0x235: {  	v37 =	vshrl.u32 v37, $0x3;
	v40 =	vshrl.u32 v40, $0x3;
	v43 =	vor.u32 v20, v33;
	v41 =	vld [tilespmem:s28+$0xFFFFFF40];
	[tilespmem:v42+s17+$0x0] =	vst.idx.msk $0xffff, v38  }
0x236: {  	v49 =	vshrl.u32 v49, $0x3;
	v50 =	vshrl.u32 v50, $0x3;
	v42 =	vor.u32 v21, v33;
	v38 =	vld [tilespmem:s28+$0xFFFFFF50];
	[tilespmem:v48+s17+$0x0] =	vst.idx.msk $0xffff, v47  }
0x237: {  	v46 =	vshll.u32 v46, v0;
	v51 =	vshrl.u32 v51, $0x3;
	v48 =	vor.u32 v22, v33;
	v47 =	vld [tilespmem:s28+$0xFFFFFF60];
	[tilespmem:v45+s17+$0x0] =	vst.idx.msk $0xffff, v44  }
.Ltmp14:
0x238: {  	v37 =	vshll.u32 v37, v0;
	v44 =	vbroadcast v46, $0x0;
	[tilespmem:v35+s17+$0x0] =	vst.idx.msk $0xffff, v34;
	v34 =	vld [tilespmem:s28+$0xFFFFFF70];
	v35 =	vor.u32 v23, v33;
	(pc) =	sbr.rel @p3 .LBB2_22-.Ltmp14, $4  }
0x239: {  	v40 =	vshll.u32 v40, v0;
	v37 =	vbroadcast v37, $0x0;
	[tilespmem:v39+s17+$0x0] =	vst.idx.msk $0xffff, v36;
	v36 =	vld [tilespmem:s28+$0xFFFFFF80];
	v39 =	vor.u32 v24, v33  }
0x23a: {  	v40 =	vbroadcast v40, $0x0;
	[tilespmem:v43+s17+$0x0] =	vst.idx.msk $0xffff, v41;
	v41 =	vld [tilespmem:s28+$0xFFFFFF90];
	v43 =	vor.u32 v17, v44;
	v44 =	vshll.u32 v49, v0  }
0x23b: {  	v45 =	vshll.u32 v50, v0;
	[tilespmem:v42+s17+$0x0] =	vst.idx.msk $0xffff, v38;
	v38 =	vld [tilespmem:s28+$0xFFFFFFA0];
	v42 =	vor.u32 v18, v37;
	v44 =	vbroadcast v44, $0x0  }
0x23c: {  	s30 =	sadd.s32 $0x10, s30;
	s0 =	sadd.s32 $0xE, s26;
	v40 =	vor.u32 v19, v40;
	v46 =	vshll.u32 v51, v0;
	v45 =	vbroadcast v45, $0x0;
	[tilespmem:v48+s17+$0x0] =	vst.idx.msk $0xffff, v47;
	v37 =	vld [tilespmem:s28+$0xFFFFFFB0]  }
.LBB2_23:
0x23d: {  	_ =	sdelay $0x2  }
0x23e: {  	v47 =	vmov s0  }
0x23f: {  	[tilespmem:v35+s17+$0x0] =	vst.idx.msk @p2 $0xffff, v34;
	v34 =	vld @p2 [tilespmem:s28+$0xFFFFFFC0];
	v35 =	vor.u32 @p2 v20, v44;
	v44 =	vbroadcast @p2 v46, $0x0;
	v50 =	vmov s26  }
0x240: {  	v33 =	vor.u32 @p2 v17, v33;
	v47 =	vshrl.u32 v47, $0x3;
	[tilespmem:v39+s17+$0x0] =	vst.idx.msk @p2 $0xffff, v36;
	v36 =	vld @p2 [tilespmem:s28+$0xFFFFFFD0];
	v39 =	vor.u32 @p2 v21, v45  }
0x241: {  	s0 =	sadd.s32 @p2 $0xF, s29;
	v51 =	vshrl.u32 v50, $0x3;
	v52 =	vshll.u32 v47, v0;
	[tilespmem:v43+s17+$0x0] =	vst.idx.msk @p2 $0xffff, v41;
	v41 =	vld @p2 [tilespmem:s28+$0xFFFFFFE0];
	v43 =	vor.u32 @p2 v22, v44  }
0x242: {  	v53 =	vshll.u32 v51, v0;
	v47 =	vld @p2 [tilespmem:s28+$0xFFFFFF10];
	v54 =	vbroadcast v52, $0x0;
	[tilespmem:v42+s17+$0x0] =	vst.idx.msk @p2 $0xffff, v38;
	v42 =	vor.u32 @p2 s0, v24;
	s0 =	sadd.s32 @p2 $0x100, s28  }
0x243: {  	s2 =	sadd.s32 $0x8, s26;
	v38 =	vld @p2 [tilespmem:s28+$0x0];
	v44 =	vbroadcast v53, $0x0;
	[tilespmem:v40+s17+$0x0] =	vst.idx.msk @p2 $0xffff, v37;
	s25 =	smov.u32 @p2 s0  }
0x244: {  	s31 =	sadd.s32 $0x9, s26;
	s9 =	sadd.s32 $0xA, s26;
	v55 =	vmov s2;
	v48 =	vld [tilespmem:s25+$0xFFFFFFF0];
	v45 =	vor.u32 v23, v54;
	[tilespmem:v35+s17+$0x0] =	vst.idx.msk @p2 $0xffff, v34  }
0x245: {  	s29 =	sadd.s32 $0xC, s26;
	v56 =	vmov s31;
	v57 =	vmov s9;
	v58 =	vld [tilespmem:s25+$0xFFFFFF20];
	v59 =	vor.u32 v18, v44;
	[tilespmem:v39+s17+$0x0] =	vst.idx.msk @p2 $0xffff, v36  }
0x246: {  	v50 =	vmov s29;
	v46 =	vshrl.u32 v55, $0x3;
	v60 =	vld [tilespmem:s25+$0xFFFFFF30];
	v61 =	vor.u32 v19, v44;
	[tilespmem:v43+s17+$0x0] =	vst.idx.msk @p2 $0xffff, v41  }
0x247: {  	s30 =	sadd.s32 $0xD, s26;
	v46 =	vshll.u32 v46, v0;
	v40 =	vshrl.u32 v57, $0x3;
	v62 =	vld [tilespmem:s25+$0xFFFFFF40];
	v63 =	vor.u32 v20, v44;
	[tilespmem:v33+s17+$0x0] =	vst.idx.msk @p2 $0xffff, v47  }
0x248: {  	v51 =	vmov s30;
	v54 =	vld [tilespmem:s25+$0xFFFFFF60];
	v55 =	vor.u32 v22, v44;
	v40 =	vshll.u32 v40, v0;
	[tilespmem:v42+s17+$0x0] =	vst.idx.msk @p2 $0xffff, v38  }
0x249: {  	v37 =	vshrl.u32 v56, $0x3;
	v56 =	vld [tilespmem:s25+$0xFFFFFF70];
	v57 =	vor.u32 v23, v44;
	v40 =	vbroadcast v40, $0x0;
	[tilespmem:v45+s17+$0x0] =	vst.idx.msk $0xffff, v48  }
0x24a: {  	v50 =	vshrl.u32 v50, $0x3;
	s28 =	sadd.s32 $0xB, s26;
	v37 =	vshll.u32 v37, v0;
	v38 =	vld [tilespmem:s25+$0xFFFFFF50];
	v42 =	vor.u32 v21, v44;
	[tilespmem:v59+s17+$0x0] =	vst.idx.msk $0xffff, v58  }
0x24b: {  	v49 =	vmov s28;
	v53 =	vld [tilespmem:s25+$0xFFFFFFB0];
	v37 =	vbroadcast v37, $0x0;
	v40 =	vor.u32 v19, v40;
	[tilespmem:v61+s17+$0x0] =	vst.idx.msk $0xffff, v60  }
0x24c: {  	v49 =	vshrl.u32 v49, $0x3;
	v58 =	vbroadcast v46, $0x0;
	v59 =	vld [tilespmem:s25+$0xFFFFFF80];
	v60 =	vor.u32 v24, v44;
	[tilespmem:v63+s17+$0x0] =	vst.idx.msk $0xffff, v62  }
0x24d: {  	v51 =	vshrl.u32 v51, $0x3;
	v37 =	vor.u32 v18, v37;
	v63 =	vshll.u32 v49, v0;
	v48 =	vld [tilespmem:s25+$0xFFFFFFA0];
	[tilespmem:v55+s17+$0x0] =	vst.idx.msk $0xffff, v54  }
0x24e: {  	v52 =	vshll.u32 v50, v0;
	v61 =	vld [tilespmem:s25+$0xFFFFFF90];
	[tilespmem:v57+s17+$0x0] =	vst.idx.msk $0xffff, v56;
	v49 =	vbroadcast v63, $0x0;
	v62 =	vor.u32 v17, v58  }
0x24f: {  	v45 =	vbroadcast v52, $0x0;
	v54 =	vshll.u32 v51, v0;
	v44 =	vor.u32 v17, v44;
	v63 =	vld [tilespmem:s25+$0xFFFFFF10];
	[tilespmem:v42+s17+$0x0] =	vst.idx.msk $0xffff, v38  }
0x250: {  	v55 =	vld [tilespmem:s25+$0xFFFFFFC0];
	v57 =	vbroadcast v54, $0x0;
	v56 =	vor.u32 v20, v49;
	[tilespmem:v40+s17+$0x0] =	vst.idx.msk $0xffff, v53  }
0x251: {  	v58 =	vld [tilespmem:s25+$0xFFFFFFD0];
	[tilespmem:v60+s17+$0x0] =	vst.idx.msk $0xffff, v59;
	v59 =	vor.u32 v21, v45  }
0x252: {  	s31 =	sadd.s32 $0xF, s26;
	v42 =	vor.u32 v22, v57;
	v60 =	vld [tilespmem:s25+$0xFFFFFFE0];
	[tilespmem:v37+s17+$0x0] =	vst.idx.msk $0xffff, v48  }
0x253: {  	[tilespmem:v62+s17+$0x0] =	vst.idx.msk $0xffff, v61;
	v61 =	vld [tilespmem:s25+$0x0];
	v62 =	vor.u32 s31, v24  }
.Ltmp15:
0x254: {  	[tilespmem:v44+s17+$0x0] =	vst.idx.msk $0xffff, v63;
	(pc) =	sbr.rel @!p1 .LBB2_24-.Ltmp15, $4  }
0x255: {  	[tilespmem:v56+s17+$0x0] =	vst.idx.msk $0xffff, v55  }
0x256: {  	[tilespmem:v59+s17+$0x0] =	vst.idx.msk $0xffff, v58  }
0x257: {  	[tilespmem:v42+s17+$0x0] =	vst.idx.msk $0xffff, v60  }
0x258: {  	s25 =	simm.s32 $0x9CF0;
	[tilespmem:v62+s17+$0x0] =	vst.idx.msk $0xffff, v61  }
0x259: {  	v33 =	vmov s24  }
0x25a: {  	v34 =	vmov s23;
	v33 =	vshrl.u32 v33, $0x3  }
0x25b: {  	v34 =	vshrl.u32 v34, $0x3;
	v33 =	vshll.u32 v33, v0  }
0x25c: {  	s0 =	simm.s32 $0x8;
	v34 =	vshll.u32 v34, v0;
	v35 =	vbroadcast v33, $0x0  }
0x25d: {  	s26 =	simm.s32 $0x9;
	s2 =	simm.s32 $0xA;
	v58 =	vmov s0;
	v33 =	vbroadcast v34, $0x0  }
0x25e: {  	s29 =	simm.s32 $0xB;
	s30 =	simm.s32 $0xC;
	v38 =	vld [tilespmem:s25+$0xFFFFFFF0];
	v36 =	vmov s26;
	v37 =	vmov s2;
	v35 =	vor.u32 v31, v35  }
0x25f: {  	v39 =	vld [tilespmem:s25+$0xFFFFFF20];
	s31 =	simm.s32 $0xD;
	v41 =	vmov s29;
	v42 =	vmov s30;
	v40 =	vor.u32 v26, v33  }
0x260: {  	v43 =	vld [tilespmem:s25+$0xFFFFFF30];
	v45 =	vmov s31;
	v36 =	vshrl.u32 v36, $0x3;
	v44 =	vor.u32 v27, v33  }
0x261: {  	v46 =	vld [tilespmem:s25+$0xFFFFFF40];
	v48 =	vshrl.u32 v37, $0x3;
	v51 =	vshrl.u32 v41, $0x3;
	v47 =	vor.u32 v28, v33  }
0x262: {  	v49 =	vld [tilespmem:s25+$0xFFFFFF50];
	v52 =	vshrl.u32 v42, $0x3;
	v34 =	vshrl.u32 v58, $0x3;
	v50 =	vor.u32 v29, v33  }
0x263: {  	v53 =	vld [tilespmem:s25+$0xFFFFFF60];
	p1 =	por $0x1, $0x1;
	v55 =	vshrl.u32 v45, $0x3;
	v59 =	vshll.u32 v34, v0;
	v54 =	vor.u32 v30, v33;
	[tilespmem:v35+s17+$0x0] =	vst.idx.msk $0xffff, v38  }
.Ltmp16:
0x264: {  	v36 =	vshll.u32 v36, v0;
	v34 =	vld [tilespmem:s25+$0xFFFFFF70];
	v60 =	vbroadcast v59, $0x0;
	[tilespmem:v40+s17+$0x0] =	vst.idx.msk $0xffff, v39;
	v35 =	vor.u32 v31, v33;
	(pc) =	sbr.rel @!p1 .LBB2_26-.Ltmp16, $4  }
0x265: {  	v37 =	vld [tilespmem:s25+$0xFFFFFF80];
	v61 =	vshll.u32 v48, v0;
	v36 =	vbroadcast v36, $0x0;
	[tilespmem:v44+s17+$0x0] =	vst.idx.msk $0xffff, v43;
	v40 =	vor.u32 v32, v33  }
0x266: {  	v41 =	vld [tilespmem:s25+$0xFFFFFF90];
	v62 =	vshll.u32 v51, v0;
	[tilespmem:v47+s17+$0x0] =	vst.idx.msk $0xffff, v46;
	v43 =	vor.u32 v25, v60;
	v39 =	vbroadcast v61, $0x0  }
0x267: {  	s24 =	simm.s32 $0x1E;
	v63 =	vshll.u32 v52, v0;
	v42 =	vor.u32 v26, v36;
	[tilespmem:v50+s17+$0x0] =	vst.idx.msk $0xffff, v49;
	v38 =	vld [tilespmem:s25+$0xFFFFFFA0];
	v44 =	vbroadcast v62, $0x0  }
0x268: {  	s28 =	simm.s32 $0x20;
	p0 =	por $0x1, $0x1;
	s26 =	simm.s32 $0x9CF0;
	v45 =	vbroadcast v63, $0x0;
	v36 =	vld [tilespmem:s25+$0xFFFFFFB0];
	[tilespmem:v54+s17+$0x0] =	vst.idx.msk $0xffff, v53;
	v46 =	vshll.u32 v55, v0;
	v39 =	vor.u32 v27, v39  }
.LBB2_27:
0x269: {  	p1 =	slt.u32 s28, $0x70;
	v47 =	vmov s24;
	[tilespmem:v35+s17+$0x0] =	vst.idx.msk $0xffff, v34;
	v34 =	vld [tilespmem:s26+$0xFFFFFFC0];
	v35 =	vor.u32 v28, v44;
	v44 =	vbroadcast v46, $0x0  }
0x26a: {  	v46 =	vmov s22;
	v47 =	vshrl.u32 v47, $0x3;
	[tilespmem:v40+s17+$0x0] =	vst.idx.msk $0xffff, v37;
	v37 =	vld [tilespmem:s26+$0xFFFFFFD0];
	v40 =	vor.u32 v29, v45  }
0x26b: {  	s0 =	sadd.s32 $0xF, s23;
	s23 =	smov.u32 s22;
	s22 =	smov.u32 s28;
	v45 =	vshrl.u32 v46, $0x3;
	v46 =	vshll.u32 v47, v0;
	[tilespmem:v43+s17+$0x0] =	vst.idx.msk $0xffff, v41;
	v41 =	vld [tilespmem:s26+$0xFFFFFFE0];
	v43 =	vor.u32 v30, v44  }
0x26c: {  	s2 =	sadd.s32 $0x8, s23;
	v44 =	vshll.u32 v45, v0;
	v45 =	vbroadcast v46, $0x0;
	[tilespmem:v42+s17+$0x0] =	vst.idx.msk $0xffff, v38;
	v38 =	vld [tilespmem:s26+$0x0];
	v42 =	vor.u32 s0, v32  }
0x26d: {  	v48 =	vor.u32 v25, v33;
	v46 =	vmov s2;
	s0 =	sadd.s32 $0x9, s23;
	s2 =	sadd.s32 $0xA, s23;
	v33 =	vbroadcast v44, $0x0;
	v47 =	vld [tilespmem:s26+$0xFFFFFF10];
	[tilespmem:v39+s17+$0x0] =	vst.idx.msk $0xffff, v36;
	s26 =	sadd.s32 $0x100, s26  }
0x26e: {  	v36 =	vmov s0;
	v39 =	vmov s2;
	s0 =	sadd.s32 $0xB, s23;
	s2 =	sadd.s32 $0xC, s23;
	v44 =	vld [tilespmem:s26+$0xFFFFFFF0];
	v45 =	vor.u32 v31, v45;
	[tilespmem:v35+s17+$0x0] =	vst.idx.msk $0xffff, v34  }
0x26f: {  	v35 =	vor.u32 v26, v33;
	v49 =	vmov s0;
	v50 =	vmov s2;
	s0 =	sadd.s32 $0xD, s23;
	v34 =	vld [tilespmem:s26+$0xFFFFFF20];
	[tilespmem:v40+s17+$0x0] =	vst.idx.msk $0xffff, v37  }
0x270: {  	v46 =	vshrl.u32 v46, $0x3;
	v40 =	vor.u32 v27, v33;
	v51 =	vmov s0;
	v37 =	vld [tilespmem:s26+$0xFFFFFF30];
	[tilespmem:v43+s17+$0x0] =	vst.idx.msk $0xffff, v41  }
0x271: {  	v36 =	vshrl.u32 v36, $0x3;
	v39 =	vshrl.u32 v39, $0x3;
	v43 =	vor.u32 v28, v33;
	v41 =	vld [tilespmem:s26+$0xFFFFFF40];
	[tilespmem:v42+s17+$0x0] =	vst.idx.msk $0xffff, v38  }
0x272: {  	v49 =	vshrl.u32 v49, $0x3;
	v50 =	vshrl.u32 v50, $0x3;
	v42 =	vor.u32 v29, v33;
	v38 =	vld [tilespmem:s26+$0xFFFFFF50];
	[tilespmem:v48+s17+$0x0] =	vst.idx.msk $0xffff, v47  }
0x273: {  	v46 =	vshll.u32 v46, v0;
	v51 =	vshrl.u32 v51, $0x3;
	v48 =	vor.u32 v30, v33;
	v47 =	vld [tilespmem:s26+$0xFFFFFF60];
	[tilespmem:v45+s17+$0x0] =	vst.idx.msk $0xffff, v44  }
.Ltmp17:
0x274: {  	v36 =	vshll.u32 v36, v0;
	v44 =	vbroadcast v46, $0x0;
	[tilespmem:v35+s17+$0x0] =	vst.idx.msk $0xffff, v34;
	v34 =	vld [tilespmem:s26+$0xFFFFFF70];
	v35 =	vor.u32 v31, v33;
	(pc) =	sbr.rel @p1 .LBB2_27-.Ltmp17, $4  }
0x275: {  	v39 =	vshll.u32 v39, v0;
	v36 =	vbroadcast v36, $0x0;
	[tilespmem:v40+s17+$0x0] =	vst.idx.msk $0xffff, v37;
	v37 =	vld [tilespmem:s26+$0xFFFFFF80];
	v40 =	vor.u32 v32, v33  }
0x276: {  	v39 =	vbroadcast v39, $0x0;
	[tilespmem:v43+s17+$0x0] =	vst.idx.msk $0xffff, v41;
	v41 =	vld [tilespmem:s26+$0xFFFFFF90];
	v43 =	vor.u32 v25, v44;
	v44 =	vshll.u32 v49, v0  }
0x277: {  	v45 =	vshll.u32 v50, v0;
	[tilespmem:v42+s17+$0x0] =	vst.idx.msk $0xffff, v38;
	v38 =	vld [tilespmem:s26+$0xFFFFFFA0];
	v42 =	vor.u32 v26, v36;
	v44 =	vbroadcast v44, $0x0  }
0x278: {  	s28 =	sadd.s32 $0x10, s28;
	s24 =	sadd.s32 $0xE, s22;
	v39 =	vor.u32 v27, v39;
	v46 =	vshll.u32 v51, v0;
	v45 =	vbroadcast v45, $0x0;
	[tilespmem:v48+s17+$0x0] =	vst.idx.msk $0xffff, v47;
	v36 =	vld [tilespmem:s26+$0xFFFFFFB0]  }
.LBB2_28:
0x279: {  	_ =	sdelay $0x2  }
0x27a: {  	v47 =	vmov s24  }
0x27b: {  	[tilespmem:v35+s17+$0x0] =	vst.idx.msk @p0 $0xffff, v34;
	v34 =	vld @p0 [tilespmem:s26+$0xFFFFFFC0];
	v35 =	vor.u32 @p0 v28, v44;
	v44 =	vbroadcast @p0 v46, $0x0;
	v50 =	vmov s22  }
0x27c: {  	v33 =	vor.u32 @p0 v25, v33;
	v47 =	vshrl.u32 v47, $0x3;
	[tilespmem:v40+s17+$0x0] =	vst.idx.msk @p0 $0xffff, v37;
	v37 =	vld @p0 [tilespmem:s26+$0xFFFFFFD0];
	v40 =	vor.u32 @p0 v29, v45  }
0x27d: {  	s0 =	sadd.s32 @p0 $0xF, s23;
	v51 =	vshrl.u32 v50, $0x3;
	v52 =	vshll.u32 v47, v0;
	[tilespmem:v43+s17+$0x0] =	vst.idx.msk @p0 $0xffff, v41;
	v41 =	vld @p0 [tilespmem:s26+$0xFFFFFFE0];
	v43 =	vor.u32 @p0 v30, v44  }
0x27e: {  	v53 =	vshll.u32 v51, v0;
	v47 =	vld @p0 [tilespmem:s26+$0xFFFFFF10];
	v54 =	vbroadcast v52, $0x0;
	[tilespmem:v42+s17+$0x0] =	vst.idx.msk @p0 $0xffff, v38;
	v42 =	vor.u32 @p0 s0, v32;
	s0 =	sadd.s32 @p0 $0x100, s26  }
0x27f: {  	s2 =	sadd.s32 $0x8, s22;
	v38 =	vld @p0 [tilespmem:s26+$0x0];
	v44 =	vbroadcast v53, $0x0;
	[tilespmem:v39+s17+$0x0] =	vst.idx.msk @p0 $0xffff, v36;
	s25 =	smov.u32 @p0 s0  }
0x280: {  	s24 =	sadd.s32 $0x9, s22;
	s9 =	sadd.s32 $0xA, s22;
	v55 =	vmov s2;
	v48 =	vld [tilespmem:s25+$0xFFFFFFF0];
	v45 =	vor.u32 v31, v54;
	[tilespmem:v35+s17+$0x0] =	vst.idx.msk @p0 $0xffff, v34  }
0x281: {  	s28 =	sadd.s32 $0xC, s22;
	v56 =	vmov s24;
	v57 =	vmov s9;
	v58 =	vld [tilespmem:s25+$0xFFFFFF20];
	v59 =	vor.u32 v26, v44;
	[tilespmem:v40+s17+$0x0] =	vst.idx.msk @p0 $0xffff, v37  }
0x282: {  	v50 =	vmov s28;
	v46 =	vshrl.u32 v55, $0x3;
	v60 =	vld [tilespmem:s25+$0xFFFFFF30];
	v61 =	vor.u32 v27, v44;
	[tilespmem:v43+s17+$0x0] =	vst.idx.msk @p0 $0xffff, v41  }
0x283: {  	s29 =	sadd.s32 $0xD, s22;
	v46 =	vshll.u32 v46, v0;
	v39 =	vshrl.u32 v57, $0x3;
	v62 =	vld [tilespmem:s25+$0xFFFFFF40];
	v63 =	vor.u32 v28, v44;
	[tilespmem:v33+s17+$0x0] =	vst.idx.msk @p0 $0xffff, v47  }
0x284: {  	v51 =	vmov s29;
	v54 =	vld [tilespmem:s25+$0xFFFFFF60];
	v55 =	vor.u32 v30, v44;
	v39 =	vshll.u32 v39, v0;
	[tilespmem:v42+s17+$0x0] =	vst.idx.msk @p0 $0xffff, v38  }
0x285: {  	v36 =	vshrl.u32 v56, $0x3;
	v56 =	vld [tilespmem:s25+$0xFFFFFF70];
	v57 =	vor.u32 v31, v44;
	v39 =	vbroadcast v39, $0x0;
	[tilespmem:v45+s17+$0x0] =	vst.idx.msk $0xffff, v48  }
0x286: {  	v50 =	vshrl.u32 v50, $0x3;
	s26 =	sadd.s32 $0xB, s22;
	v36 =	vshll.u32 v36, v0;
	v38 =	vld [tilespmem:s25+$0xFFFFFF50];
	v42 =	vor.u32 v29, v44;
	[tilespmem:v59+s17+$0x0] =	vst.idx.msk $0xffff, v58  }
0x287: {  	v49 =	vmov s26;
	v53 =	vld [tilespmem:s25+$0xFFFFFFB0];
	v36 =	vbroadcast v36, $0x0;
	v39 =	vor.u32 v27, v39;
	[tilespmem:v61+s17+$0x0] =	vst.idx.msk $0xffff, v60  }
0x288: {  	v49 =	vshrl.u32 v49, $0x3;
	v58 =	vbroadcast v46, $0x0;
	v59 =	vld [tilespmem:s25+$0xFFFFFF80];
	v60 =	vor.u32 v32, v44;
	[tilespmem:v63+s17+$0x0] =	vst.idx.msk $0xffff, v62  }
0x289: {  	v51 =	vshrl.u32 v51, $0x3;
	v36 =	vor.u32 v26, v36;
	v63 =	vshll.u32 v49, v0;
	v48 =	vld [tilespmem:s25+$0xFFFFFFA0];
	[tilespmem:v55+s17+$0x0] =	vst.idx.msk $0xffff, v54  }
0x28a: {  	v52 =	vshll.u32 v50, v0;
	v61 =	vld [tilespmem:s25+$0xFFFFFF90];
	[tilespmem:v57+s17+$0x0] =	vst.idx.msk $0xffff, v56;
	v49 =	vbroadcast v63, $0x0;
	v62 =	vor.u32 v25, v58  }
0x28b: {  	v45 =	vbroadcast v52, $0x0;
	v54 =	vshll.u32 v51, v0;
	v44 =	vor.u32 v25, v44;
	v63 =	vld [tilespmem:s25+$0xFFFFFF10];
	[tilespmem:v42+s17+$0x0] =	vst.idx.msk $0xffff, v38  }
0x28c: {  	v55 =	vld [tilespmem:s25+$0xFFFFFFC0];
	v57 =	vbroadcast v54, $0x0;
	v56 =	vor.u32 v28, v49;
	[tilespmem:v39+s17+$0x0] =	vst.idx.msk $0xffff, v53  }
0x28d: {  	v58 =	vld [tilespmem:s25+$0xFFFFFFD0];
	[tilespmem:v60+s17+$0x0] =	vst.idx.msk $0xffff, v59;
	v59 =	vor.u32 v29, v45  }
0x28e: {  	s30 =	sadd.s32 $0xF, s22;
	v42 =	vor.u32 v30, v57;
	v60 =	vld [tilespmem:s25+$0xFFFFFFE0];
	[tilespmem:v36+s17+$0x0] =	vst.idx.msk $0xffff, v48  }
0x28f: {  	s20 =	sadd.s32 $0x1, s20;
	[tilespmem:v62+s17+$0x0] =	vst.idx.msk $0xffff, v61;
	v61 =	vld [tilespmem:s25+$0x0];
	v62 =	vor.u32 s30, v32  }
0x290: {  	p0 =	sne.s32 s20, $0x19;
	[tilespmem:v44+s17+$0x0] =	vst.idx.msk $0xffff, v63  }
.Ltmp18:
0x291: {  	s31 =	sshll.u32 s21, $0x12;
	[tilespmem:v56+s17+$0x0] =	vst.idx.msk $0xffff, v55;
	(pc) =	sbr.rel @p0 .LBB2_2-.Ltmp18, $4  }
.Ltmp19:
0x292: {  	s0 =	sor.u32 s6, s31;
	[tilespmem:v59+s17+$0x0] =	vst.idx.msk $0xffff, v58;
	(pc) =	sbr.rel @!p0 .LBB2_29-.Ltmp19, $4  }
0x293: {  	s0 =	sshrl.u32 s0, $0x3;
	[tilespmem:v42+s17+$0x0] =	vst.idx.msk $0xffff, v60  }
0x294: {  	s0 =	sadd.s32 s1, s0;
	[tilespmem:v62+s17+$0x0] =	vst.idx.msk $0xffff, v61  }
0x295: {  	[hbm4b:s0+s15] =	stream.strided.scatter [tilespmem:s17], [sflag:$0x2], $0x2000, s16, s15, $0x38;
	[tilespmem:$0xE400] =	vst v63  }
0x296: {  	_ = 	snop  }
.LBB2_11:
.Ltmp20:
0x297: {  	(pc) =	sbr.rel .LBB2_15-.Ltmp20, $2  }
0x298: {  	_ =	sdelay $0x2  }
0x299: {  	s28 =	simm.s32 $0x7CF0;
	s23 =	simm.s32 $0x0  }
.LBB2_24:
.Ltmp21:
0x29a: {  	(pc) =	sbr.rel .LBB2_28-.Ltmp21, $2  }
0x29b: {  	_ =	sdelay $0x2  }
0x29c: {  	s26 =	simm.s32 $0x9CF0;
	s22 =	simm.s32 $0x0  }
.LBB2_8:
.Ltmp22:
0x29d: {  	(pc) =	sbr.rel .LBB2_10-.Ltmp22, $2  }
0x29e: {  	_ =	sdelay $0x2  }
0x29f: {  	s29 =	simm.s32 $0x74F0;
	s28 =	simm.s32 $0x10;
	s30 =	simm.s32 $0x0  }
.LBB2_13:
.Ltmp23:
0x2a0: {  	(pc) =	sbr.rel .LBB2_15-.Ltmp23, $2  }
0x2a1: {  	_ =	sdelay $0x2  }
0x2a2: {  	s28 =	simm.s32 $0x7CF0  }
.LBB2_21:
.Ltmp24:
0x2a3: {  	(pc) =	sbr.rel .LBB2_23-.Ltmp24, $2  }
0x2a4: {  	_ =	sdelay $0x2  }
0x2a5: {  	s28 =	simm.s32 $0x94F0;
	s26 =	simm.s32 $0x10;
	s29 =	simm.s32 $0x0  }
.LBB2_26:
.Ltmp25:
0x2a6: {  	(pc) =	sbr.rel .LBB2_28-.Ltmp25, $2  }
0x2a7: {  	_ =	sdelay $0x2  }
0x2a8: {  	s26 =	simm.s32 $0x9CF0  }
.LBB2_30:
0x2a9: {  	_ =	sfence.sel $0x180000  }
0x2aa: {  	[bflag:$0x0] =	sbarrier.arrive $0xFFFF  }
0x2ab: {  	_ =	strace $0x90000047  }
0x2ac: {  	s0 =	stileid.u32;
	[bflag:$0x2] =	sbarrier.arrive $0xFFFF  }
0x2ad: {  	p0 =	sne.s32 s0, $0x0;
	s0 =	rddreg [dreg:$0x2]  }
0x2ae: {  	s0 =	sadd.s32 @!p0 $0x100000, s0  }
0x2af: {  	[sflag:s0] =	ssyncadd.tile.s32 @!p0 $0x1;
	_ =	shalt  }
.Lfunc_end2:
_tile_overlayer_lowered:
.L_overlay_start_2:
0x2b0: {  	(tag) =	ssettag $0x2  }
0x2b1: {  	s0 =	rddreg [dreg:$0x0];
	s2 =	stileid.u32  }
0x2b2: {  	s1 =	rddreg [dreg:$0x1];
	p0 =	sne.s32 s2, $0x0  }
0x2b3: {  	s3 =	rddreg [dreg:$0x2];
	[bflag:$0x3] =	sbarrier.arrive $0xFFFF;
	s2 =	simm.s32 @!p0 $0x1C03  }
0x2b4: {  	[timem:s3], [sflag:s2] =	dma.local @!p0 [hbm:s0], s1  }
0x2b5: {  	s0 =	simm.s32 @!p0 $0x3  }
0x2b6: {  	_ =	swait.ge @!p0 [sflag:s0], s1  }
0x2b7: {  	s1 =	ssub.s32 @!p0 $0x0, s1;
	[sflag:s0] =	ssyncset.done @!p0 $0x0  }
0x2b8: {  	[sflag:s0] =	ssyncadd.s32 @!p0 s1  }
0x2b9: {  	[bflag:$0x3] =	sbarrier.arrive $0xFFFF  }
0x2ba: {  	_ =	shalt  }

</sc_bundles>
